<compile_context>
chip_gen: v7x
topology: tpu7x:2x2x1
jax: 0.10.2.dev20260603
libtpu: 0.0.44.dev20260713+nightly
codegen_flags: <defaults>
</compile_context>

<pallas_src>
import functools

import jax
import jax.numpy as jnp
import numpy as np
from jax import lax
from jax.experimental import pallas as pl
from jax.experimental.pallas import tpu as pltpu
from jax.experimental.pallas import tpu_sc as plsc

_LANES = 16


def _chunk_offsets(d):
    offs = list(range(0, d - _LANES + 1, _LANES))
    if d % _LANES:
        offs.append(d - _LANES)
    return offs


def _w_select(d):
    offs = _chunk_offsets(d)
    idx, msk = [], []
    covered = set()
    for off in offs:
        for j in range(_LANES):
            col = off + j
            if col < d and col not in covered:
                idx.append(col)
                msk.append(1.0)
                covered.add(col)
            else:
                idx.append(0)
                msk.append(0.0)
    return np.array(idx, np.int32), np.array(msk, np.float32), offs


@functools.cache
def _build_pad(vocab, d, dpad, blk):

    def body(x_ref, o_ref):
        o_ref[:, :d] = x_ref[...]
        o_ref[:, d:] = jnp.zeros((blk, dpad - d), jnp.float32)

    return pl.pallas_call(
        body,
        grid=(vocab // blk,),
        in_specs=[pl.BlockSpec((blk, d), lambda i: (i, 0))],
        out_specs=pl.BlockSpec((blk, dpad), lambda i: (i, 0)),
        out_shape=jax.ShapeDtypeStruct((vocab, dpad), jnp.float32),
    )


@functools.cache
def _build(batch, seq, d):
    info = plsc.get_sparse_core_info()
    nc, ns = info.num_cores, info.num_subcores
    nw = nc * ns
    assert batch % nw == 0 and seq == 200 and d == 100
    rpw = batch // nw
    offs = _chunk_offsets(d)
    nch = len(offs)
    wpad = nch * _LANES
    dpad = 128
    s0 = 96
    s1 = seq - s0

    mesh = plsc.VectorSubcoreMesh(core_axis_name="c", subcore_axis_name="s")

    @functools.partial(
        pl.kernel,
        mesh=mesh,
        compiler_params=pltpu.CompilerParams(use_tc_tiling_on_sc=True,
                                             needs_layout_passes=False),
        out_type=jax.ShapeDtypeStruct((batch,), jnp.float32),
        scratch_types=[
            pltpu.VMEM((rpw * seq,), jnp.int32),
            pltpu.VMEM((seq, dpad), jnp.float32),
            pltpu.VMEM((seq, dpad), jnp.float32),
            pltpu.VMEM((2 * wpad + _LANES,), jnp.float32),
            pltpu.VMEM((rpw,), jnp.float32),
            pltpu.SemaphoreType.DMA,
            pltpu.SemaphoreType.DMA,
        ],
    )
    def run(prem_hbm, hyp_hbm, table_hbm, w_hbm, out_hbm,
            idx_v, buf0, buf1, w_v, out_v, sem0, sem1):
        wid = lax.axis_index("s") * nc + lax.axis_index("c")
        base = wid * rpw
        pltpu.sync_copy(w_hbm, w_v)
        lanes = lax.iota(jnp.int32, _LANES)

        def issue(g, buf, sem):
            c0 = pltpu.async_copy(
                table_hbm.at[idx_v.at[pl.ds(g * seq, s0)]],
                buf.at[pl.ds(0, s0)], sem)
            c1 = pltpu.async_copy(
                table_hbm.at[idx_v.at[pl.ds(g * seq + s0, s1)]],
                buf.at[pl.ds(s0, s1)], sem)
            return c0, c1

        def pooled_dot(side, buf):
            init = tuple(jnp.full((_LANES,), -jnp.inf, jnp.float32)
                         for _ in range(nch))

            def mstep(r, carry):
                return tuple(jnp.maximum(c, buf[r, pl.ds(off, _LANES)])
                             for c, off in zip(carry, offs))

            maxes = lax.fori_loop(0, seq, mstep, init, unroll=4)
            acc = jnp.zeros((_LANES,), jnp.float32)
            for c in range(nch):
                acc = acc + maxes[c] * w_v[pl.ds(side * wpad + c * _LANES,
                                                 _LANES)]
            return jnp.sum(acc)

        for side, src_hbm in ((0, prem_hbm), (1, hyp_hbm)):
            pltpu.sync_copy(src_hbm.at[pl.ds(base * seq, rpw * seq)], idx_v)

            def gstep(gg, acc, side=side):
                t0, t1 = 2 * gg, 2 * gg + 1
                h0 = issue(t0, buf0, sem0)
                h1 = issue(t1, buf1, sem1)
                for h in h0:
                    h.wait()
                d0 = pooled_dot(side, buf0)
                for h in h1:
                    h.wait()
                d1 = pooled_dot(side, buf1)
                acc = jnp.where(lanes == t0 % _LANES, d0, acc)
                acc = jnp.where(lanes == t1 % _LANES, d1, acc)

                @pl.when(t1 % _LANES == _LANES - 1)
                def _():
                    sl = pl.ds((t1 // _LANES) * _LANES, _LANES)
                    if side == 0:
                        out_v[sl] = acc
                    else:
                        out_v[sl] = out_v[sl] + acc

                return acc

            lax.fori_loop(0, rpw // 2, gstep,
                          jnp.zeros((_LANES,), jnp.float32))

        bvec = w_v[pl.ds(2 * wpad, _LANES)]
        for i in range(rpw // _LANES):
            x = out_v[pl.ds(i * _LANES, _LANES)] + bvec
            out_v[pl.ds(i * _LANES, _LANES)] = 1.0 / (1.0 + jnp.exp(-x))
        pltpu.sync_copy(out_v, out_hbm.at[pl.ds(base, rpw)])

    return run


def kernel(premise, hypothesis, table, W, b):
    batch, seq = premise.shape
    vocab, d = table.shape
    sel, msk, _ = _w_select(d)
    wp = W[0, :d][sel] * msk
    wh = W[0, d:][sel] * msk
    w_full = jnp.concatenate([wp, wh, jnp.broadcast_to(b, (_LANES,))])
    table_pad = _build_pad(vocab, d, 128, 4000)(table)
    run = _build(batch, seq, d)
    return run(premise.reshape(-1), hypothesis.reshape(-1),
               table_pad, w_full)

# --- scband reference (transcript-rebuilt; emitter-appended) ---
"""Pipeline reference for scband-pooled-logistic-regression-2482491097583 (READ-ONLY COPY).

The authoritative reference and input builder live on the scoring server;
editing this copy changes nothing except your own understanding.
"""

import jax, jax.numpy as jnp
import numpy as np

VOCAB = 1000000
EMBED_DIM = 100
B = 4096
L = 200


def setup_inputs(seed: int = 0) -> dict:
    key = jax.random.key(seed)
    k1, k2, k3, k4, k5 = jax.random.split(key, 5)
    premise = jax.random.randint(k1, (B, L), 0, VOCAB, dtype=jnp.int32)
    hypothesis = jax.random.randint(k2, (B, L), 0, VOCAB, dtype=jnp.int32)
    table = jax.random.normal(k3, (VOCAB, EMBED_DIM), dtype=jnp.float32)
    W = jax.random.normal(k4, (1, EMBED_DIM * 2), dtype=jnp.float32) * 0.05
    b = jax.random.normal(k5, (1,), dtype=jnp.float32) * 0.05
    return {"premise": premise, "hypothesis": hypothesis, "table": table, "W": W, "b": b}


def max_pool(x):
    return jnp.max(x, axis=1)


def reference(premise, hypothesis, table, W, b):
    _premise = max_pool(jnp.take(table, premise, axis=0))
    _hypothesis = max_pool(jnp.take(table, hypothesis, axis=0))
    _cat = jnp.concatenate((_premise, _hypothesis), axis=1)
    _linear = _cat @ W.T + b
    return jax.nn.sigmoid(_linear).reshape(premise.shape[0])

if __name__ == "__main__":
    import jax
    _d = setup_inputs()
    print(jax.jit(kernel)(*tuple(_d.values())))

</pallas_src>

<mosaic_0001>
#map = affine_map<(d0, d1) -> (0)>
#map1 = affine_map<(d0, d1) -> (0, 0)>
module attributes {stable_mosaic.version = 14 : i64} {
  func.func @run(%arg0: i32, %arg1: i32, %arg2: memref<819200xi32, #tpu.memory_space<hbm>>, %arg3: memref<819200xi32, #tpu.memory_space<hbm>>, %arg4: memref<1000000x128xf32, #tpu.memory_space<hbm>>, %arg5: memref<240xf32, #tpu.memory_space<hbm>>, %arg6: memref<4096xf32, #tpu.memory_space<hbm>>, %arg7: memref<25600xi32, #tpu.memory_space<vmem>>, %arg8: memref<200x128xf32, #tpu.memory_space<vmem>>, %arg9: memref<200x128xf32, #tpu.memory_space<vmem>>, %arg10: memref<240xf32, #tpu.memory_space<vmem>>, %arg11: memref<128xf32, #tpu.memory_space<vmem>>, %arg12: memref<!tpu.dma_semaphore, #tpu.memory_space<semaphore_mem>>, %arg13: memref<!tpu.dma_semaphore, #tpu.memory_space<semaphore_mem>>) attributes {dimension_semantics = [#tpu.dimension_semantics<core_parallel>, #tpu.dimension_semantics<subcore_parallel>], iteration_bounds = array<i64: 2, 16>, scalar_prefetch = 0 : i64, scratch_operands = 7 : i64, tpu.core_type = #tpu.core_type<sc_vector_subcore>, window_params = [{transform_indices = #map}, {transform_indices = #map}, {transform_indices = #map1}, {transform_indices = #map}, {transform_indices = #map}]} {
    %mul3A = arith.constant 2 : i32
    %mul3A_0 = arith.muli %arg1, %mul3A : i32
    %add3A = arith.addi %mul3A_0, %arg0 : i32
    %mul3A_1 = arith.constant 128 : i32
    %mul3A_2 = arith.muli %add3A, %mul3A_1 : i32
    "tpu.region"() ({
      %run_scoped3A = tpu.sem_alloc : memref<!tpu.dma_semaphore, #tpu.memory_space<semaphore_mem>>
      tpu.enqueue_dma source(%arg5 : memref<240xf32, #tpu.memory_space<hbm>>) target(%arg10 : memref<240xf32, #tpu.memory_space<vmem>>) target_semaphore(%run_scoped3A : memref<!tpu.dma_semaphore, #tpu.memory_space<semaphore_mem>>)
      tpu.wait_dma2 semaphore(%run_scoped3A : memref<!tpu.dma_semaphore, #tpu.memory_space<semaphore_mem>>) src(%arg5 : memref<240xf32, #tpu.memory_space<hbm>>) dst(%arg10 : memref<240xf32, #tpu.memory_space<vmem>>)
      tpu.yield
    }) : () -> ()
    %iota3A = tpu.iota {dimensions = array<i32: 0>} : vector<16xi32>
    %mul3A_3 = arith.constant 200 : i32
    %mul3A_4 = arith.muli %mul3A_2, %mul3A_3 : i32
    "tpu.region"() ({
      %run_scoped3A = tpu.sem_alloc : memref<!tpu.dma_semaphore, #tpu.memory_space<semaphore_mem>>
      %dma_start3A = tpu.memref_slice %arg2[%mul3A_4] : memref<819200xi32, #tpu.memory_space<hbm>> -> memref<25600xi32, #tpu.memory_space<hbm>>
      %dma_start3A_138 = tpu.memref_slice %arg2[%mul3A_4] : memref<819200xi32, #tpu.memory_space<hbm>> -> memref<25600xi32, #tpu.memory_space<hbm>>
      tpu.enqueue_dma source(%dma_start3A_138 : memref<25600xi32, #tpu.memory_space<hbm>>) target(%arg7 : memref<25600xi32, #tpu.memory_space<vmem>>) target_semaphore(%run_scoped3A : memref<!tpu.dma_semaphore, #tpu.memory_space<semaphore_mem>>)
      %dma_wait3A = tpu.memref_slice %arg2[%mul3A_4] : memref<819200xi32, #tpu.memory_space<hbm>> -> memref<25600xi32, #tpu.memory_space<hbm>>
      %dma_wait3A_139 = tpu.memref_slice %arg2[%mul3A_4] : memref<819200xi32, #tpu.memory_space<hbm>> -> memref<25600xi32, #tpu.memory_space<hbm>>
      tpu.wait_dma2 semaphore(%run_scoped3A : memref<!tpu.dma_semaphore, #tpu.memory_space<semaphore_mem>>) src(%dma_wait3A_139 : memref<25600xi32, #tpu.memory_space<hbm>>) dst(%arg7 : memref<25600xi32, #tpu.memory_space<vmem>>)
      tpu.yield
    }) : () -> ()
    %broadcast_in_dim3A = arith.constant 0.000000e+00 : f32
    %broadcast_in_dim3A_5 = vector.broadcast %broadcast_in_dim3A : f32 to vector<16xf32>
    %scan3A = arith.constant 0 : i32
    %scan3A_6 = arith.constant 64 : i32
    %scan3A_7 = arith.addi %scan3A, %scan3A_6 : i32
    %scan3A_8 = arith.constant 1 : i32
    %scan3A_9 = scf.for %scan3A_138 = %scan3A to %scan3A_7 step %scan3A_8 iter_args(%scan3A_139 = %broadcast_in_dim3A_5) -> (vector<16xf32>)  : i32 {
      %mul3A_140 = arith.constant 2 : i32
      %mul3A_141 = arith.muli %mul3A_140, %scan3A_138 : i32
      %mul3A_142 = arith.constant 2 : i32
      %mul3A_143 = arith.muli %mul3A_142, %scan3A_138 : i32
      %add3A_144 = arith.constant 1 : i32
      %add3A_145 = arith.addi %mul3A_143, %add3A_144 : i32
      %mul3A_146 = arith.constant 200 : i32
      %mul3A_147 = arith.muli %mul3A_141, %mul3A_146 : i32
      %dma_start3A = arith.constant 0 : i32
      %dma_start3A_148 = arith.constant 0 : i32
      %dma_start3A_149 = tpu.memref_slice %arg8[%dma_start3A, %dma_start3A_148] : memref<200x128xf32, #tpu.memory_space<vmem>> -> memref<96x128xf32, #tpu.memory_space<vmem>>
      %dma_start3A_150 = tpu.memref_slice %arg7[%mul3A_147] : memref<25600xi32, #tpu.memory_space<vmem>> -> memref<96xi32, #tpu.memory_space<vmem>>
      %dma_start3A_151 = arith.constant 0 : i32
      %dma_start3A_152 = arith.constant 0 : i32
      %dma_start3A_153 = tpu.memref_slice %arg4[%dma_start3A_151, %dma_start3A_152] : memref<1000000x128xf32, #tpu.memory_space<hbm>> -> memref<1000000x128xf32, #tpu.memory_space<hbm>>
      tpu.enqueue_indirect_dma source(%dma_start3A_153 : memref<1000000x128xf32, #tpu.memory_space<hbm>>) target(%dma_start3A_149 : memref<96x128xf32, #tpu.memory_space<vmem>>) offsets(%dma_start3A_150 : memref<96xi32, #tpu.memory_space<vmem>>) semaphore(%arg12 : memref<!tpu.dma_semaphore, #tpu.memory_space<semaphore_mem>>)
      %mul3A_154 = arith.constant 200 : i32
      %mul3A_155 = arith.muli %mul3A_141, %mul3A_154 : i32
      %add3A_156 = arith.constant 96 : i32
      %add3A_157 = arith.addi %mul3A_155, %add3A_156 : i32
      %dma_start3A_158 = arith.constant 96 : i32
      %dma_start3A_159 = arith.constant 0 : i32
      %dma_start3A_160 = tpu.memref_slice %arg8[%dma_start3A_158, %dma_start3A_159] : memref<200x128xf32, #tpu.memory_space<vmem>> -> memref<104x128xf32, #tpu.memory_space<vmem>>
      %dma_start3A_161 = tpu.memref_slice %arg7[%add3A_157] : memref<25600xi32, #tpu.memory_space<vmem>> -> memref<104xi32, #tpu.memory_space<vmem>>
      %dma_start3A_162 = arith.constant 0 : i32
      %dma_start3A_163 = arith.constant 0 : i32
      %dma_start3A_164 = tpu.memref_slice %arg4[%dma_start3A_162, %dma_start3A_163] : memref<1000000x128xf32, #tpu.memory_space<hbm>> -> memref<1000000x128xf32, #tpu.memory_space<hbm>>
      tpu.enqueue_indirect_dma source(%dma_start3A_164 : memref<1000000x128xf32, #tpu.memory_space<hbm>>) target(%dma_start3A_160 : memref<104x128xf32, #tpu.memory_space<vmem>>) offsets(%dma_start3A_161 : memref<104xi32, #tpu.memory_space<vmem>>) semaphore(%arg12 : memref<!tpu.dma_semaphore, #tpu.memory_space<semaphore_mem>>)
      %mul3A_165 = arith.constant 200 : i32
      %mul3A_166 = arith.muli %add3A_145, %mul3A_165 : i32
      %dma_start3A_167 = arith.constant 0 : i32
      %dma_start3A_168 = arith.constant 0 : i32
      %dma_start3A_169 = tpu.memref_slice %arg9[%dma_start3A_167, %dma_start3A_168] : memref<200x128xf32, #tpu.memory_space<vmem>> -> memref<96x128xf32, #tpu.memory_space<vmem>>
      %dma_start3A_170 = tpu.memref_slice %arg7[%mul3A_166] : memref<25600xi32, #tpu.memory_space<vmem>> -> memref<96xi32, #tpu.memory_space<vmem>>
      %dma_start3A_171 = arith.constant 0 : i32
      %dma_start3A_172 = arith.constant 0 : i32
      %dma_start3A_173 = tpu.memref_slice %arg4[%dma_start3A_171, %dma_start3A_172] : memref<1000000x128xf32, #tpu.memory_space<hbm>> -> memref<1000000x128xf32, #tpu.memory_space<hbm>>
      tpu.enqueue_indirect_dma source(%dma_start3A_173 : memref<1000000x128xf32, #tpu.memory_space<hbm>>) target(%dma_start3A_169 : memref<96x128xf32, #tpu.memory_space<vmem>>) offsets(%dma_start3A_170 : memref<96xi32, #tpu.memory_space<vmem>>) semaphore(%arg13 : memref<!tpu.dma_semaphore, #tpu.memory_space<semaphore_mem>>)
      %mul3A_174 = arith.constant 200 : i32
      %mul3A_175 = arith.muli %add3A_145, %mul3A_174 : i32
      %add3A_176 = arith.constant 96 : i32
      %add3A_177 = arith.addi %mul3A_175, %add3A_176 : i32
      %dma_start3A_178 = arith.constant 96 : i32
      %dma_start3A_179 = arith.constant 0 : i32
      %dma_start3A_180 = tpu.memref_slice %arg9[%dma_start3A_178, %dma_start3A_179] : memref<200x128xf32, #tpu.memory_space<vmem>> -> memref<104x128xf32, #tpu.memory_space<vmem>>
      %dma_start3A_181 = tpu.memref_slice %arg7[%add3A_177] : memref<25600xi32, #tpu.memory_space<vmem>> -> memref<104xi32, #tpu.memory_space<vmem>>
      %dma_start3A_182 = arith.constant 0 : i32
      %dma_start3A_183 = arith.constant 0 : i32
      %dma_start3A_184 = tpu.memref_slice %arg4[%dma_start3A_182, %dma_start3A_183] : memref<1000000x128xf32, #tpu.memory_space<hbm>> -> memref<1000000x128xf32, #tpu.memory_space<hbm>>
      tpu.enqueue_indirect_dma source(%dma_start3A_184 : memref<1000000x128xf32, #tpu.memory_space<hbm>>) target(%dma_start3A_180 : memref<104x128xf32, #tpu.memory_space<vmem>>) offsets(%dma_start3A_181 : memref<104xi32, #tpu.memory_space<vmem>>) semaphore(%arg13 : memref<!tpu.dma_semaphore, #tpu.memory_space<semaphore_mem>>)
      %dma_wait3A = arith.constant 0 : i32
      %dma_wait3A_185 = arith.constant 0 : i32
      %dma_wait3A_186 = tpu.memref_slice %arg8[%dma_wait3A, %dma_wait3A_185] : memref<200x128xf32, #tpu.memory_space<vmem>> -> memref<96x128xf32, #tpu.memory_space<vmem>>
      %dma_wait3A_187 = tpu.memref_slice %arg7[%mul3A_147] : memref<25600xi32, #tpu.memory_space<vmem>> -> memref<96xi32, #tpu.memory_space<vmem>>
      %dma_wait3A_188 = arith.constant 0 : i32
      %dma_wait3A_189 = arith.constant 0 : i32
      %dma_wait3A_190 = tpu.memref_slice %arg4[%dma_wait3A_188, %dma_wait3A_189] : memref<1000000x128xf32, #tpu.memory_space<hbm>> -> memref<1000000x128xf32, #tpu.memory_space<hbm>>
      tpu.wait_indirect_dma semaphore(%arg12 : memref<!tpu.dma_semaphore, #tpu.memory_space<semaphore_mem>>) src(%dma_wait3A_190 : memref<1000000x128xf32, #tpu.memory_space<hbm>>) dst(%dma_wait3A_186 : memref<96x128xf32, #tpu.memory_space<vmem>>)
      %dma_wait3A_191 = arith.constant 96 : i32
      %dma_wait3A_192 = arith.constant 0 : i32
      %dma_wait3A_193 = tpu.memref_slice %arg8[%dma_wait3A_191, %dma_wait3A_192] : memref<200x128xf32, #tpu.memory_space<vmem>> -> memref<104x128xf32, #tpu.memory_space<vmem>>
      %dma_wait3A_194 = tpu.memref_slice %arg7[%add3A_157] : memref<25600xi32, #tpu.memory_space<vmem>> -> memref<104xi32, #tpu.memory_space<vmem>>
      %dma_wait3A_195 = arith.constant 0 : i32
      %dma_wait3A_196 = arith.constant 0 : i32
      %dma_wait3A_197 = tpu.memref_slice %arg4[%dma_wait3A_195, %dma_wait3A_196] : memref<1000000x128xf32, #tpu.memory_space<hbm>> -> memref<1000000x128xf32, #tpu.memory_space<hbm>>
      tpu.wait_indirect_dma semaphore(%arg12 : memref<!tpu.dma_semaphore, #tpu.memory_space<semaphore_mem>>) src(%dma_wait3A_197 : memref<1000000x128xf32, #tpu.memory_space<hbm>>) dst(%dma_wait3A_193 : memref<104x128xf32, #tpu.memory_space<vmem>>)
      %broadcast_in_dim3A_198 = arith.constant 0xFF800000 : f32
      %broadcast_in_dim3A_199 = vector.broadcast %broadcast_in_dim3A_198 : f32 to vector<16xf32>
      %broadcast_in_dim3A_200 = arith.constant 0xFF800000 : f32
      %broadcast_in_dim3A_201 = vector.broadcast %broadcast_in_dim3A_200 : f32 to vector<16xf32>
      %broadcast_in_dim3A_202 = arith.constant 0xFF800000 : f32
      %broadcast_in_dim3A_203 = vector.broadcast %broadcast_in_dim3A_202 : f32 to vector<16xf32>
      %broadcast_in_dim3A_204 = arith.constant 0xFF800000 : f32
      %broadcast_in_dim3A_205 = vector.broadcast %broadcast_in_dim3A_204 : f32 to vector<16xf32>
      %broadcast_in_dim3A_206 = arith.constant 0xFF800000 : f32
      %broadcast_in_dim3A_207 = vector.broadcast %broadcast_in_dim3A_206 : f32 to vector<16xf32>
      %broadcast_in_dim3A_208 = arith.constant 0xFF800000 : f32
      %broadcast_in_dim3A_209 = vector.broadcast %broadcast_in_dim3A_208 : f32 to vector<16xf32>
      %broadcast_in_dim3A_210 = arith.constant 0xFF800000 : f32
      %broadcast_in_dim3A_211 = vector.broadcast %broadcast_in_dim3A_210 : f32 to vector<16xf32>
      %scan3A_212 = arith.constant 0 : i32
      %scan3A_213 = arith.constant 200 : i32
      %scan3A_214 = arith.addi %scan3A_212, %scan3A_213 : i32
      %scan3A_215 = arith.constant 4 : i32
      %scan3A_216:7 = scf.for %scan3A_371 = %scan3A_212 to %scan3A_214 step %scan3A_215 iter_args(%scan3A_372 = %broadcast_in_dim3A_199, %scan3A_373 = %broadcast_in_dim3A_201, %scan3A_374 = %broadcast_in_dim3A_203, %scan3A_375 = %broadcast_in_dim3A_205, %scan3A_376 = %broadcast_in_dim3A_207, %scan3A_377 = %broadcast_in_dim3A_209, %scan3A_378 = %broadcast_in_dim3A_211) -> (vector<16xf32>, vector<16xf32>, vector<16xf32>, vector<16xf32>, vector<16xf32>, vector<16xf32>, vector<16xf32>)  : i32 {
        %get3A_379 = arith.index_cast %scan3A_371 : i32 to index
        %get3A_380 = arith.constant 0 : index
        %get3A_381 = tpu.vector_load %arg8[%get3A_379, %get3A_380] {strides = array<i32>} : memref<200x128xf32, #tpu.memory_space<vmem>>, vector<16xf32>,
        %max3A = arith.maximumf %scan3A_372, %get3A_381 : vector<16xf32>
        %get3A_382 = arith.index_cast %scan3A_371 : i32 to index
        %get3A_383 = arith.constant 16 : index
        %get3A_384 = tpu.vector_load %arg8[%get3A_382, %get3A_383] {strides = array<i32>} : memref<200x128xf32, #tpu.memory_space<vmem>>, vector<16xf32>,
        %max3A_385 = arith.maximumf %scan3A_373, %get3A_384 : vector<16xf32>
        %get3A_386 = arith.index_cast %scan3A_371 : i32 to index
        %get3A_387 = arith.constant 32 : index
        %get3A_388 = tpu.vector_load %arg8[%get3A_386, %get3A_387] {strides = array<i32>} : memref<200x128xf32, #tpu.memory_space<vmem>>, vector<16xf32>,
        %max3A_389 = arith.maximumf %scan3A_374, %get3A_388 : vector<16xf32>
        %get3A_390 = arith.index_cast %scan3A_371 : i32 to index
        %get3A_391 = arith.constant 48 : index
        %get3A_392 = tpu.vector_load %arg8[%get3A_390, %get3A_391] {strides = array<i32>} : memref<200x128xf32, #tpu.memory_space<vmem>>, vector<16xf32>,
        %max3A_393 = arith.maximumf %scan3A_375, %get3A_392 : vector<16xf32>
        %get3A_394 = arith.index_cast %scan3A_371 : i32 to index
        %get3A_395 = arith.constant 64 : index
        %get3A_396 = tpu.vector_load %arg8[%get3A_394, %get3A_395] {strides = array<i32>} : memref<200x128xf32, #tpu.memory_space<vmem>>, vector<16xf32>,
        %max3A_397 = arith.maximumf %scan3A_376, %get3A_396 : vector<16xf32>
        %get3A_398 = arith.index_cast %scan3A_371 : i32 to index
        %get3A_399 = arith.constant 80 : index
        %get3A_400 = tpu.vector_load %arg8[%get3A_398, %get3A_399] {strides = array<i32>} : memref<200x128xf32, #tpu.memory_space<vmem>>, vector<16xf32>,
        %max3A_401 = arith.maximumf %scan3A_377, %get3A_400 : vector<16xf32>
        %get3A_402 = arith.index_cast %scan3A_371 : i32 to index
        %get3A_403 = arith.constant 84 : index
        %get3A_404 = tpu.vector_load %arg8[%get3A_402, %get3A_403] {strides = array<i32>} : memref<200x128xf32, #tpu.memory_space<vmem>>, vector<16xf32>,
        %max3A_405 = arith.maximumf %scan3A_378, %get3A_404 : vector<16xf32>
        %scan3A_406 = arith.constant 1 : i32
        %scan3A_407 = arith.addi %scan3A_371, %scan3A_406 : i32
        %get3A_408 = arith.index_cast %scan3A_407 : i32 to index
        %get3A_409 = arith.constant 0 : index
        %get3A_410 = tpu.vector_load %arg8[%get3A_408, %get3A_409] {strides = array<i32>} : memref<200x128xf32, #tpu.memory_space<vmem>>, vector<16xf32>,
        %max3A_411 = arith.maximumf %max3A, %get3A_410 : vector<16xf32>
        %get3A_412 = arith.index_cast %scan3A_407 : i32 to index
        %get3A_413 = arith.constant 16 : index
        %get3A_414 = tpu.vector_load %arg8[%get3A_412, %get3A_413] {strides = array<i32>} : memref<200x128xf32, #tpu.memory_space<vmem>>, vector<16xf32>,
        %max3A_415 = arith.maximumf %max3A_385, %get3A_414 : vector<16xf32>
        %get3A_416 = arith.index_cast %scan3A_407 : i32 to index
        %get3A_417 = arith.constant 32 : index
        %get3A_418 = tpu.vector_load %arg8[%get3A_416, %get3A_417] {strides = array<i32>} : memref<200x128xf32, #tpu.memory_space<vmem>>, vector<16xf32>,
        %max3A_419 = arith.maximumf %max3A_389, %get3A_418 : vector<16xf32>
        %get3A_420 = arith.index_cast %scan3A_407 : i32 to index
        %get3A_421 = arith.constant 48 : index
        %get3A_422 = tpu.vector_load %arg8[%get3A_420, %get3A_421] {strides = array<i32>} : memref<200x128xf32, #tpu.memory_space<vmem>>, vector<16xf32>,
        %max3A_423 = arith.maximumf %max3A_393, %get3A_422 : vector<16xf32>
        %get3A_424 = arith.index_cast %scan3A_407 : i32 to index
        %get3A_425 = arith.constant 64 : index
        %get3A_426 = tpu.vector_load %arg8[%get3A_424, %get3A_425] {strides = array<i32>} : memref<200x128xf32, #tpu.memory_space<vmem>>, vector<16xf32>,
        %max3A_427 = arith.maximumf %max3A_397, %get3A_426 : vector<16xf32>
        %get3A_428 = arith.index_cast %scan3A_407 : i32 to index
        %get3A_429 = arith.constant 80 : index
        %get3A_430 = tpu.vector_load %arg8[%get3A_428, %get3A_429] {strides = array<i32>} : memref<200x128xf32, #tpu.memory_space<vmem>>, vector<16xf32>,
        %max3A_431 = arith.maximumf %max3A_401, %get3A_430 : vector<16xf32>
        %get3A_432 = arith.index_cast %scan3A_407 : i32 to index
        %get3A_433 = arith.constant 84 : index
        %get3A_434 = tpu.vector_load %arg8[%get3A_432, %get3A_433] {strides = array<i32>} : memref<200x128xf32, #tpu.memory_space<vmem>>, vector<16xf32>,
        %max3A_435 = arith.maximumf %max3A_405, %get3A_434 : vector<16xf32>
        %scan3A_436 = arith.constant 2 : i32
        %scan3A_437 = arith.addi %scan3A_371, %scan3A_436 : i32
        %get3A_438 = arith.index_cast %scan3A_437 : i32 to index
        %get3A_439 = arith.constant 0 : index
        %get3A_440 = tpu.vector_load %arg8[%get3A_438, %get3A_439] {strides = array<i32>} : memref<200x128xf32, #tpu.memory_space<vmem>>, vector<16xf32>,
        %max3A_441 = arith.maximumf %max3A_411, %get3A_440 : vector<16xf32>
        %get3A_442 = arith.index_cast %scan3A_437 : i32 to index
        %get3A_443 = arith.constant 16 : index
        %get3A_444 = tpu.vector_load %arg8[%get3A_442, %get3A_443] {strides = array<i32>} : memref<200x128xf32, #tpu.memory_space<vmem>>, vector<16xf32>,
        %max3A_445 = arith.maximumf %max3A_415, %get3A_444 : vector<16xf32>
        %get3A_446 = arith.index_cast %scan3A_437 : i32 to index
        %get3A_447 = arith.constant 32 : index
        %get3A_448 = tpu.vector_load %arg8[%get3A_446, %get3A_447] {strides = array<i32>} : memref<200x128xf32, #tpu.memory_space<vmem>>, vector<16xf32>,
        %max3A_449 = arith.maximumf %max3A_419, %get3A_448 : vector<16xf32>
        %get3A_450 = arith.index_cast %scan3A_437 : i32 to index
        %get3A_451 = arith.constant 48 : index
        %get3A_452 = tpu.vector_load %arg8[%get3A_450, %get3A_451] {strides = array<i32>} : memref<200x128xf32, #tpu.memory_space<vmem>>, vector<16xf32>,
        %max3A_453 = arith.maximumf %max3A_423, %get3A_452 : vector<16xf32>
        %get3A_454 = arith.index_cast %scan3A_437 : i32 to index
        %get3A_455 = arith.constant 64 : index
        %get3A_456 = tpu.vector_load %arg8[%get3A_454, %get3A_455] {strides = array<i32>} : memref<200x128xf32, #tpu.memory_space<vmem>>, vector<16xf32>,
        %max3A_457 = arith.maximumf %max3A_427, %get3A_456 : vector<16xf32>
        %get3A_458 = arith.index_cast %scan3A_437 : i32 to index
        %get3A_459 = arith.constant 80 : index
        %get3A_460 = tpu.vector_load %arg8[%get3A_458, %get3A_459] {strides = array<i32>} : memref<200x128xf32, #tpu.memory_space<vmem>>, vector<16xf32>,
        %max3A_461 = arith.maximumf %max3A_431, %get3A_460 : vector<16xf32>
        %get3A_462 = arith.index_cast %scan3A_437 : i32 to index
        %get3A_463 = arith.constant 84 : index
        %get3A_464 = tpu.vector_load %arg8[%get3A_462, %get3A_463] {strides = array<i32>} : memref<200x128xf32, #tpu.memory_space<vmem>>, vector<16xf32>,
        %max3A_465 = arith.maximumf %max3A_435, %get3A_464 : vector<16xf32>
        %scan3A_466 = arith.constant 3 : i32
        %scan3A_467 = arith.addi %scan3A_371, %scan3A_466 : i32
        %get3A_468 = arith.index_cast %scan3A_467 : i32 to index
        %get3A_469 = arith.constant 0 : index
        %get3A_470 = tpu.vector_load %arg8[%get3A_468, %get3A_469] {strides = array<i32>} : memref<200x128xf32, #tpu.memory_space<vmem>>, vector<16xf32>,
        %max3A_471 = arith.maximumf %max3A_441, %get3A_470 : vector<16xf32>
        %get3A_472 = arith.index_cast %scan3A_467 : i32 to index
        %get3A_473 = arith.constant 16 : index
        %get3A_474 = tpu.vector_load %arg8[%get3A_472, %get3A_473] {strides = array<i32>} : memref<200x128xf32, #tpu.memory_space<vmem>>, vector<16xf32>,
        %max3A_475 = arith.maximumf %max3A_445, %get3A_474 : vector<16xf32>
        %get3A_476 = arith.index_cast %scan3A_467 : i32 to index
        %get3A_477 = arith.constant 32 : index
        %get3A_478 = tpu.vector_load %arg8[%get3A_476, %get3A_477] {strides = array<i32>} : memref<200x128xf32, #tpu.memory_space<vmem>>, vector<16xf32>,
        %max3A_479 = arith.maximumf %max3A_449, %get3A_478 : vector<16xf32>
        %get3A_480 = arith.index_cast %scan3A_467 : i32 to index
        %get3A_481 = arith.constant 48 : index
        %get3A_482 = tpu.vector_load %arg8[%get3A_480, %get3A_481] {strides = array<i32>} : memref<200x128xf32, #tpu.memory_space<vmem>>, vector<16xf32>,
        %max3A_483 = arith.maximumf %max3A_453, %get3A_482 : vector<16xf32>
        %get3A_484 = arith.index_cast %scan3A_467 : i32 to index
        %get3A_485 = arith.constant 64 : index
        %get3A_486 = tpu.vector_load %arg8[%get3A_484, %get3A_485] {strides = array<i32>} : memref<200x128xf32, #tpu.memory_space<vmem>>, vector<16xf32>,
        %max3A_487 = arith.maximumf %max3A_457, %get3A_486 : vector<16xf32>
        %get3A_488 = arith.index_cast %scan3A_467 : i32 to index
        %get3A_489 = arith.constant 80 : index
        %get3A_490 = tpu.vector_load %arg8[%get3A_488, %get3A_489] {strides = array<i32>} : memref<200x128xf32, #tpu.memory_space<vmem>>, vector<16xf32>,
        %max3A_491 = arith.maximumf %max3A_461, %get3A_490 : vector<16xf32>
        %get3A_492 = arith.index_cast %scan3A_467 : i32 to index
        %get3A_493 = arith.constant 84 : index
        %get3A_494 = tpu.vector_load %arg8[%get3A_492, %get3A_493] {strides = array<i32>} : memref<200x128xf32, #tpu.memory_space<vmem>>, vector<16xf32>,
        %max3A_495 = arith.maximumf %max3A_465, %get3A_494 : vector<16xf32>
        scf.yield %max3A_471, %max3A_475, %max3A_479, %max3A_483, %max3A_487, %max3A_491, %max3A_495 : vector<16xf32>, vector<16xf32>, vector<16xf32>, vector<16xf32>, vector<16xf32>, vector<16xf32>, vector<16xf32>
      }
      %scan3A_217 = arith.constant 200 : i32
      %broadcast_in_dim3A_218 = arith.constant 0.000000e+00 : f32
      %broadcast_in_dim3A_219 = vector.broadcast %broadcast_in_dim3A_218 : f32 to vector<16xf32>
      %get3A_220 = arith.constant 0 : index
      %get3A_221 = tpu.vector_load %arg10[%get3A_220] {strides = array<i32>} : memref<240xf32, #tpu.memory_space<vmem>>, vector<16xf32>,
      %mul3A_222 = arith.mulf %scan3A_216#0, %get3A_221 : vector<16xf32>
      %add3A_223 = arith.addf %broadcast_in_dim3A_219, %mul3A_222 : vector<16xf32>
      %get3A_224 = arith.constant 16 : index
      %get3A_225 = tpu.vector_load %arg10[%get3A_224] {strides = array<i32>} : memref<240xf32, #tpu.memory_space<vmem>>, vector<16xf32>,
      %mul3A_226 = arith.mulf %scan3A_216#1, %get3A_225 : vector<16xf32>
      %add3A_227 = arith.addf %add3A_223, %mul3A_226 : vector<16xf32>
      %get3A_228 = arith.constant 32 : index
      %get3A_229 = tpu.vector_load %arg10[%get3A_228] {strides = array<i32>} : memref<240xf32, #tpu.memory_space<vmem>>, vector<16xf32>,
      %mul3A_230 = arith.mulf %scan3A_216#2, %get3A_229 : vector<16xf32>
      %add3A_231 = arith.addf %add3A_227, %mul3A_230 : vector<16xf32>
      %get3A_232 = arith.constant 48 : index
      %get3A_233 = tpu.vector_load %arg10[%get3A_232] {strides = array<i32>} : memref<240xf32, #tpu.memory_space<vmem>>, vector<16xf32>,
      %mul3A_234 = arith.mulf %scan3A_216#3, %get3A_233 : vector<16xf32>
      %add3A_235 = arith.addf %add3A_231, %mul3A_234 : vector<16xf32>
      %get3A_236 = arith.constant 64 : index
      %get3A_237 = tpu.vector_load %arg10[%get3A_236] {strides = array<i32>} : memref<240xf32, #tpu.memory_space<vmem>>, vector<16xf32>,
      %mul3A_238 = arith.mulf %scan3A_216#4, %get3A_237 : vector<16xf32>
      %add3A_239 = arith.addf %add3A_235, %mul3A_238 : vector<16xf32>
      %get3A_240 = arith.constant 80 : index
      %get3A_241 = tpu.vector_load %arg10[%get3A_240] {strides = array<i32>} : memref<240xf32, #tpu.memory_space<vmem>>, vector<16xf32>,
      %mul3A_242 = arith.mulf %scan3A_216#5, %get3A_241 : vector<16xf32>
      %add3A_243 = arith.addf %add3A_239, %mul3A_242 : vector<16xf32>
      %get3A_244 = arith.constant 96 : index
      %get3A_245 = tpu.vector_load %arg10[%get3A_244] {strides = array<i32>} : memref<240xf32, #tpu.memory_space<vmem>>, vector<16xf32>,
      %mul3A_246 = arith.mulf %scan3A_216#6, %get3A_245 : vector<16xf32>
      %add3A_247 = arith.addf %add3A_243, %mul3A_246 : vector<16xf32>
      %reduce_sum3A = arith.constant true
      %reduce_sum3A_248 = vector.broadcast %reduce_sum3A : i1 to vector<16xi1>
      %reduce_sum3A_249 = tpu.scan <sum>, %add3A_247 masked %reduce_sum3A_248 : vector<16xf32>, vector<16xi1> -> vector<16xf32>
      %reduce_sum3A_250 = vector.extract %reduce_sum3A_249[15] : f32 from vector<16xf32>
      %dma_wait3A_251 = arith.constant 0 : i32
      %dma_wait3A_252 = arith.constant 0 : i32
      %dma_wait3A_253 = tpu.memref_slice %arg9[%dma_wait3A_251, %dma_wait3A_252] : memref<200x128xf32, #tpu.memory_space<vmem>> -> memref<96x128xf32, #tpu.memory_space<vmem>>
      %dma_wait3A_254 = tpu.memref_slice %arg7[%mul3A_166] : memref<25600xi32, #tpu.memory_space<vmem>> -> memref<96xi32, #tpu.memory_space<vmem>>
      %dma_wait3A_255 = arith.constant 0 : i32
      %dma_wait3A_256 = arith.constant 0 : i32
      %dma_wait3A_257 = tpu.memref_slice %arg4[%dma_wait3A_255, %dma_wait3A_256] : memref<1000000x128xf32, #tpu.memory_space<hbm>> -> memref<1000000x128xf32, #tpu.memory_space<hbm>>
      tpu.wait_indirect_dma semaphore(%arg13 : memref<!tpu.dma_semaphore, #tpu.memory_space<semaphore_mem>>) src(%dma_wait3A_257 : memref<1000000x128xf32, #tpu.memory_space<hbm>>) dst(%dma_wait3A_253 : memref<96x128xf32, #tpu.memory_space<vmem>>)
      %dma_wait3A_258 = arith.constant 96 : i32
      %dma_wait3A_259 = arith.constant 0 : i32
      %dma_wait3A_260 = tpu.memref_slice %arg9[%dma_wait3A_258, %dma_wait3A_259] : memref<200x128xf32, #tpu.memory_space<vmem>> -> memref<104x128xf32, #tpu.memory_space<vmem>>
      %dma_wait3A_261 = tpu.memref_slice %arg7[%add3A_177] : memref<25600xi32, #tpu.memory_space<vmem>> -> memref<104xi32, #tpu.memory_space<vmem>>
      %dma_wait3A_262 = arith.constant 0 : i32
      %dma_wait3A_263 = arith.constant 0 : i32
      %dma_wait3A_264 = tpu.memref_slice %arg4[%dma_wait3A_262, %dma_wait3A_263] : memref<1000000x128xf32, #tpu.memory_space<hbm>> -> memref<1000000x128xf32, #tpu.memory_space<hbm>>
      tpu.wait_indirect_dma semaphore(%arg13 : memref<!tpu.dma_semaphore, #tpu.memory_space<semaphore_mem>>) src(%dma_wait3A_264 : memref<1000000x128xf32, #tpu.memory_space<hbm>>) dst(%dma_wait3A_260 : memref<104x128xf32, #tpu.memory_space<vmem>>)
      %broadcast_in_dim3A_265 = arith.constant 0xFF800000 : f32
      %broadcast_in_dim3A_266 = vector.broadcast %broadcast_in_dim3A_265 : f32 to vector<16xf32>
      %broadcast_in_dim3A_267 = arith.constant 0xFF800000 : f32
      %broadcast_in_dim3A_268 = vector.broadcast %broadcast_in_dim3A_267 : f32 to vector<16xf32>
      %broadcast_in_dim3A_269 = arith.constant 0xFF800000 : f32
      %broadcast_in_dim3A_270 = vector.broadcast %broadcast_in_dim3A_269 : f32 to vector<16xf32>
      %broadcast_in_dim3A_271 = arith.constant 0xFF800000 : f32
      %broadcast_in_dim3A_272 = vector.broadcast %broadcast_in_dim3A_271 : f32 to vector<16xf32>
      %broadcast_in_dim3A_273 = arith.constant 0xFF800000 : f32
      %broadcast_in_dim3A_274 = vector.broadcast %broadcast_in_dim3A_273 : f32 to vector<16xf32>
      %broadcast_in_dim3A_275 = arith.constant 0xFF800000 : f32
      %broadcast_in_dim3A_276 = vector.broadcast %broadcast_in_dim3A_275 : f32 to vector<16xf32>
      %broadcast_in_dim3A_277 = arith.constant 0xFF800000 : f32
      %broadcast_in_dim3A_278 = vector.broadcast %broadcast_in_dim3A_277 : f32 to vector<16xf32>
      %scan3A_279 = arith.constant 0 : i32
      %scan3A_280 = arith.constant 200 : i32
      %scan3A_281 = arith.addi %scan3A_279, %scan3A_280 : i32
      %scan3A_282 = arith.constant 4 : i32
      %scan3A_283:7 = scf.for %scan3A_371 = %scan3A_279 to %scan3A_281 step %scan3A_282 iter_args(%scan3A_372 = %broadcast_in_dim3A_266, %scan3A_373 = %broadcast_in_dim3A_268, %scan3A_374 = %broadcast_in_dim3A_270, %scan3A_375 = %broadcast_in_dim3A_272, %scan3A_376 = %broadcast_in_dim3A_274, %scan3A_377 = %broadcast_in_dim3A_276, %scan3A_378 = %broadcast_in_dim3A_278) -> (vector<16xf32>, vector<16xf32>, vector<16xf32>, vector<16xf32>, vector<16xf32>, vector<16xf32>, vector<16xf32>)  : i32 {
        %get3A_379 = arith.index_cast %scan3A_371 : i32 to index
        %get3A_380 = arith.constant 0 : index
        %get3A_381 = tpu.vector_load %arg9[%get3A_379, %get3A_380] {strides = array<i32>} : memref<200x128xf32, #tpu.memory_space<vmem>>, vector<16xf32>,
        %max3A = arith.maximumf %scan3A_372, %get3A_381 : vector<16xf32>
        %get3A_382 = arith.index_cast %scan3A_371 : i32 to index
        %get3A_383 = arith.constant 16 : index
        %get3A_384 = tpu.vector_load %arg9[%get3A_382, %get3A_383] {strides = array<i32>} : memref<200x128xf32, #tpu.memory_space<vmem>>, vector<16xf32>,
        %max3A_385 = arith.maximumf %scan3A_373, %get3A_384 : vector<16xf32>
        %get3A_386 = arith.index_cast %scan3A_371 : i32 to index
        %get3A_387 = arith.constant 32 : index
        %get3A_388 = tpu.vector_load %arg9[%get3A_386, %get3A_387] {strides = array<i32>} : memref<200x128xf32, #tpu.memory_space<vmem>>, vector<16xf32>,
        %max3A_389 = arith.maximumf %scan3A_374, %get3A_388 : vector<16xf32>
        %get3A_390 = arith.index_cast %scan3A_371 : i32 to index
        %get3A_391 = arith.constant 48 : index
        %get3A_392 = tpu.vector_load %arg9[%get3A_390, %get3A_391] {strides = array<i32>} : memref<200x128xf32, #tpu.memory_space<vmem>>, vector<16xf32>,
        %max3A_393 = arith.maximumf %scan3A_375, %get3A_392 : vector<16xf32>
        %get3A_394 = arith.index_cast %scan3A_371 : i32 to index
        %get3A_395 = arith.constant 64 : index
        %get3A_396 = tpu.vector_load %arg9[%get3A_394, %get3A_395] {strides = array<i32>} : memref<200x128xf32, #tpu.memory_space<vmem>>, vector<16xf32>,
        %max3A_397 = arith.maximumf %scan3A_376, %get3A_396 : vector<16xf32>
        %get3A_398 = arith.index_cast %scan3A_371 : i32 to index
        %get3A_399 = arith.constant 80 : index
        %get3A_400 = tpu.vector_load %arg9[%get3A_398, %get3A_399] {strides = array<i32>} : memref<200x128xf32, #tpu.memory_space<vmem>>, vector<16xf32>,
        %max3A_401 = arith.maximumf %scan3A_377, %get3A_400 : vector<16xf32>
        %get3A_402 = arith.index_cast %scan3A_371 : i32 to index
        %get3A_403 = arith.constant 84 : index
        %get3A_404 = tpu.vector_load %arg9[%get3A_402, %get3A_403] {strides = array<i32>} : memref<200x128xf32, #tpu.memory_space<vmem>>, vector<16xf32>,
        %max3A_405 = arith.maximumf %scan3A_378, %get3A_404 : vector<16xf32>
        %scan3A_406 = arith.constant 1 : i32
        %scan3A_407 = arith.addi %scan3A_371, %scan3A_406 : i32
        %get3A_408 = arith.index_cast %scan3A_407 : i32 to index
        %get3A_409 = arith.constant 0 : index
        %get3A_410 = tpu.vector_load %arg9[%get3A_408, %get3A_409] {strides = array<i32>} : memref<200x128xf32, #tpu.memory_space<vmem>>, vector<16xf32>,
        %max3A_411 = arith.maximumf %max3A, %get3A_410 : vector<16xf32>
        %get3A_412 = arith.index_cast %scan3A_407 : i32 to index
        %get3A_413 = arith.constant 16 : index
        %get3A_414 = tpu.vector_load %arg9[%get3A_412, %get3A_413] {strides = array<i32>} : memref<200x128xf32, #tpu.memory_space<vmem>>, vector<16xf32>,
        %max3A_415 = arith.maximumf %max3A_385, %get3A_414 : vector<16xf32>
        %get3A_416 = arith.index_cast %scan3A_407 : i32 to index
        %get3A_417 = arith.constant 32 : index
        %get3A_418 = tpu.vector_load %arg9[%get3A_416, %get3A_417] {strides = array<i32>} : memref<200x128xf32, #tpu.memory_space<vmem>>, vector<16xf32>,
        %max3A_419 = arith.maximumf %max3A_389, %get3A_418 : vector<16xf32>
        %get3A_420 = arith.index_cast %scan3A_407 : i32 to index
        %get3A_421 = arith.constant 48 : index
        %get3A_422 = tpu.vector_load %arg9[%get3A_420, %get3A_421] {strides = array<i32>} : memref<200x128xf32, #tpu.memory_space<vmem>>, vector<16xf32>,
        %max3A_423 = arith.maximumf %max3A_393, %get3A_422 : vector<16xf32>
        %get3A_424 = arith.index_cast %scan3A_407 : i32 to index
        %get3A_425 = arith.constant 64 : index
        %get3A_426 = tpu.vector_load %arg9[%get3A_424, %get3A_425] {strides = array<i32>} : memref<200x128xf32, #tpu.memory_space<vmem>>, vector<16xf32>,
        %max3A_427 = arith.maximumf %max3A_397, %get3A_426 : vector<16xf32>
        %get3A_428 = arith.index_cast %scan3A_407 : i32 to index
        %get3A_429 = arith.constant 80 : index
        %get3A_430 = tpu.vector_load %arg9[%get3A_428, %get3A_429] {strides = array<i32>} : memref<200x128xf32, #tpu.memory_space<vmem>>, vector<16xf32>,
        %max3A_431 = arith.maximumf %max3A_401, %get3A_430 : vector<16xf32>
        %get3A_432 = arith.index_cast %scan3A_407 : i32 to index
        %get3A_433 = arith.constant 84 : index
        %get3A_434 = tpu.vector_load %arg9[%get3A_432, %get3A_433] {strides = array<i32>} : memref<200x128xf32, #tpu.memory_space<vmem>>, vector<16xf32>,
        %max3A_435 = arith.maximumf %max3A_405, %get3A_434 : vector<16xf32>
        %scan3A_436 = arith.constant 2 : i32
        %scan3A_437 = arith.addi %scan3A_371, %scan3A_436 : i32
        %get3A_438 = arith.index_cast %scan3A_437 : i32 to index
        %get3A_439 = arith.constant 0 : index
        %get3A_440 = tpu.vector_load %arg9[%get3A_438, %get3A_439] {strides = array<i32>} : memref<200x128xf32, #tpu.memory_space<vmem>>, vector<16xf32>,
        %max3A_441 = arith.maximumf %max3A_411, %get3A_440 : vector<16xf32>
        %get3A_442 = arith.index_cast %scan3A_437 : i32 to index
        %get3A_443 = arith.constant 16 : index
        %get3A_444 = tpu.vector_load %arg9[%get3A_442, %get3A_443] {strides = array<i32>} : memref<200x128xf32, #tpu.memory_space<vmem>>, vector<16xf32>,
        %max3A_445 = arith.maximumf %max3A_415, %get3A_444 : vector<16xf32>
        %get3A_446 = arith.index_cast %scan3A_437 : i32 to index
        %get3A_447 = arith.constant 32 : index
        %get3A_448 = tpu.vector_load %arg9[%get3A_446, %get3A_447] {strides = array<i32>} : memref<200x128xf32, #tpu.memory_space<vmem>>, vector<16xf32>,
        %max3A_449 = arith.maximumf %max3A_419, %get3A_448 : vector<16xf32>
        %get3A_450 = arith.index_cast %scan3A_437 : i32 to index
        %get3A_451 = arith.constant 48 : index
        %get3A_452 = tpu.vector_load %arg9[%get3A_450, %get3A_451] {strides = array<i32>} : memref<200x128xf32, #tpu.memory_space<vmem>>, vector<16xf32>,
        %max3A_453 = arith.maximumf %max3A_423, %get3A_452 : vector<16xf32>
        %get3A_454 = arith.index_cast %scan3A_437 : i32 to index
        %get3A_455 = arith.constant 64 : index
        %get3A_456 = tpu.vector_load %arg9[%get3A_454, %get3A_455] {strides = array<i32>} : memref<200x128xf32, #tpu.memory_space<vmem>>, vector<16xf32>,
        %max3A_457 = arith.maximumf %max3A_427, %get3A_456 : vector<16xf32>
        %get3A_458 = arith.index_cast %scan3A_437 : i32 to index
        %get3A_459 = arith.constant 80 : index
        %get3A_460 = tpu.vector_load %arg9[%get3A_458, %get3A_459] {strides = array<i32>} : memref<200x128xf32, #tpu.memory_space<vmem>>, vector<16xf32>,
        %max3A_461 = arith.maximumf %max3A_431, %get3A_460 : vector<16xf32>
        %get3A_462 = arith.index_cast %scan3A_437 : i32 to index
        %get3A_463 = arith.constant 84 : index
        %get3A_464 = tpu.vector_load %arg9[%get3A_462, %get3A_463] {strides = array<i32>} : memref<200x128xf32, #tpu.memory_space<vmem>>, vector<16xf32>,
        %max3A_465 = arith.maximumf %max3A_435, %get3A_464 : vector<16xf32>
        %scan3A_466 = arith.constant 3 : i32
        %scan3A_467 = arith.addi %scan3A_371, %scan3A_466 : i32
        %get3A_468 = arith.index_cast %scan3A_467 : i32 to index
        %get3A_469 = arith.constant 0 : index
        %get3A_470 = tpu.vector_load %arg9[%get3A_468, %get3A_469] {strides = array<i32>} : memref<200x128xf32, #tpu.memory_space<vmem>>, vector<16xf32>,
        %max3A_471 = arith.maximumf %max3A_441, %get3A_470 : vector<16xf32>
        %get3A_472 = arith.index_cast %scan3A_467 : i32 to index
        %get3A_473 = arith.constant 16 : index
        %get3A_474 = tpu.vector_load %arg9[%get3A_472, %get3A_473] {strides = array<i32>} : memref<200x128xf32, #tpu.memory_space<vmem>>, vector<16xf32>,
        %max3A_475 = arith.maximumf %max3A_445, %get3A_474 : vector<16xf32>
        %get3A_476 = arith.index_cast %scan3A_467 : i32 to index
        %get3A_477 = arith.constant 32 : index
        %get3A_478 = tpu.vector_load %arg9[%get3A_476, %get3A_477] {strides = array<i32>} : memref<200x128xf32, #tpu.memory_space<vmem>>, vector<16xf32>,
        %max3A_479 = arith.maximumf %max3A_449, %get3A_478 : vector<16xf32>
        %get3A_480 = arith.index_cast %scan3A_467 : i32 to index
        %get3A_481 = arith.constant 48 : index
        %get3A_482 = tpu.vector_load %arg9[%get3A_480, %get3A_481] {strides = array<i32>} : memref<200x128xf32, #tpu.memory_space<vmem>>, vector<16xf32>,
        %max3A_483 = arith.maximumf %max3A_453, %get3A_482 : vector<16xf32>
        %get3A_484 = arith.index_cast %scan3A_467 : i32 to index
        %get3A_485 = arith.constant 64 : index
        %get3A_486 = tpu.vector_load %arg9[%get3A_484, %get3A_485] {strides = array<i32>} : memref<200x128xf32, #tpu.memory_space<vmem>>, vector<16xf32>,
        %max3A_487 = arith.maximumf %max3A_457, %get3A_486 : vector<16xf32>
        %get3A_488 = arith.index_cast %scan3A_467 : i32 to index
        %get3A_489 = arith.constant 80 : index
        %get3A_490 = tpu.vector_load %arg9[%get3A_488, %get3A_489] {strides = array<i32>} : memref<200x128xf32, #tpu.memory_space<vmem>>, vector<16xf32>,
        %max3A_491 = arith.maximumf %max3A_461, %get3A_490 : vector<16xf32>
        %get3A_492 = arith.index_cast %scan3A_467 : i32 to index
        %get3A_493 = arith.constant 84 : index
        %get3A_494 = tpu.vector_load %arg9[%get3A_492, %get3A_493] {strides = array<i32>} : memref<200x128xf32, #tpu.memory_space<vmem>>, vector<16xf32>,
        %max3A_495 = arith.maximumf %max3A_465, %get3A_494 : vector<16xf32>
        scf.yield %max3A_471, %max3A_475, %max3A_479, %max3A_483, %max3A_487, %max3A_491, %max3A_495 : vector<16xf32>, vector<16xf32>, vector<16xf32>, vector<16xf32>, vector<16xf32>, vector<16xf32>, vector<16xf32>
      }
      %scan3A_284 = arith.constant 200 : i32
      %broadcast_in_dim3A_285 = arith.constant 0.000000e+00 : f32
      %broadcast_in_dim3A_286 = vector.broadcast %broadcast_in_dim3A_285 : f32 to vector<16xf32>
      %get3A_287 = arith.constant 0 : index
      %get3A_288 = tpu.vector_load %arg10[%get3A_287] {strides = array<i32>} : memref<240xf32, #tpu.memory_space<vmem>>, vector<16xf32>,
      %mul3A_289 = arith.mulf %scan3A_283#0, %get3A_288 : vector<16xf32>
      %add3A_290 = arith.addf %broadcast_in_dim3A_286, %mul3A_289 : vector<16xf32>
      %get3A_291 = arith.constant 16 : index
      %get3A_292 = tpu.vector_load %arg10[%get3A_291] {strides = array<i32>} : memref<240xf32, #tpu.memory_space<vmem>>, vector<16xf32>,
      %mul3A_293 = arith.mulf %scan3A_283#1, %get3A_292 : vector<16xf32>
      %add3A_294 = arith.addf %add3A_290, %mul3A_293 : vector<16xf32>
      %get3A_295 = arith.constant 32 : index
      %get3A_296 = tpu.vector_load %arg10[%get3A_295] {strides = array<i32>} : memref<240xf32, #tpu.memory_space<vmem>>, vector<16xf32>,
      %mul3A_297 = arith.mulf %scan3A_283#2, %get3A_296 : vector<16xf32>
      %add3A_298 = arith.addf %add3A_294, %mul3A_297 : vector<16xf32>
      %get3A_299 = arith.constant 48 : index
      %get3A_300 = tpu.vector_load %arg10[%get3A_299] {strides = array<i32>} : memref<240xf32, #tpu.memory_space<vmem>>, vector<16xf32>,
      %mul3A_301 = arith.mulf %scan3A_283#3, %get3A_300 : vector<16xf32>
      %add3A_302 = arith.addf %add3A_298, %mul3A_301 : vector<16xf32>
      %get3A_303 = arith.constant 64 : index
      %get3A_304 = tpu.vector_load %arg10[%get3A_303] {strides = array<i32>} : memref<240xf32, #tpu.memory_space<vmem>>, vector<16xf32>,
      %mul3A_305 = arith.mulf %scan3A_283#4, %get3A_304 : vector<16xf32>
      %add3A_306 = arith.addf %add3A_302, %mul3A_305 : vector<16xf32>
      %get3A_307 = arith.constant 80 : index
      %get3A_308 = tpu.vector_load %arg10[%get3A_307] {strides = array<i32>} : memref<240xf32, #tpu.memory_space<vmem>>, vector<16xf32>,
      %mul3A_309 = arith.mulf %scan3A_283#5, %get3A_308 : vector<16xf32>
      %add3A_310 = arith.addf %add3A_306, %mul3A_309 : vector<16xf32>
      %get3A_311 = arith.constant 96 : index
      %get3A_312 = tpu.vector_load %arg10[%get3A_311] {strides = array<i32>} : memref<240xf32, #tpu.memory_space<vmem>>, vector<16xf32>,
      %mul3A_313 = arith.mulf %scan3A_283#6, %get3A_312 : vector<16xf32>
      %add3A_314 = arith.addf %add3A_310, %mul3A_313 : vector<16xf32>
      %reduce_sum3A_315 = arith.constant true
      %reduce_sum3A_316 = vector.broadcast %reduce_sum3A_315 : i1 to vector<16xi1>
      %reduce_sum3A_317 = tpu.scan <sum>, %add3A_314 masked %reduce_sum3A_316 : vector<16xf32>, vector<16xi1> -> vector<16xf32>
      %reduce_sum3A_318 = vector.extract %reduce_sum3A_317[15] : f32 from vector<16xf32>
      %jit3A = arith.constant 16 : i32
      %eq3A = arith.constant 0 : i32
      %eq3A_319 = arith.cmpi eq, %jit3A, %eq3A : i32
      %jit3A_320 = arith.constant 1 : i32
      %select_n3A = arith.select %eq3A_319, %jit3A_320, %jit3A : i32
      %rem3A = arith.remsi %mul3A_141, %select_n3A : i32
      %ne3A = arith.constant 0 : i32
      %ne3A_321 = arith.cmpi ne, %rem3A, %ne3A : i32
      %lt3A = arith.constant 0 : i32
      %lt3A_322 = arith.cmpi slt, %rem3A, %lt3A : i32
      %lt3A_323 = arith.constant 0 : i32
      %lt3A_324 = arith.cmpi slt, %select_n3A, %lt3A_323 : i32
      %ne3A_325 = arith.xori %lt3A_322, %lt3A_324 : i1
      %and3A = arith.andi %ne3A_325, %ne3A_321 : i1
      %add3A_326 = arith.addi %rem3A, %select_n3A : i32
      %select_n3A_327 = arith.select %and3A, %add3A_326, %rem3A : i32
      %eq3A_328 = vector.broadcast %select_n3A_327 : i32 to vector<16xi32>
      %eq3A_329 = arith.cmpi eq, %iota3A, %eq3A_328 : vector<16xi32>
      %broadcast_in_dim3A_330 = vector.broadcast %reduce_sum3A_250 : f32 to vector<16xf32>
      %select_n3A_331 = arith.select %eq3A_329, %broadcast_in_dim3A_330, %scan3A_139 : vector<16xi1>, vector<16xf32>
      %jit3A_332 = arith.constant 16 : i32
      %eq3A_333 = arith.constant 0 : i32
      %eq3A_334 = arith.cmpi eq, %jit3A_332, %eq3A_333 : i32
      %jit3A_335 = arith.constant 1 : i32
      %select_n3A_336 = arith.select %eq3A_334, %jit3A_335, %jit3A_332 : i32
      %rem3A_337 = arith.remsi %add3A_145, %select_n3A_336 : i32
      %ne3A_338 = arith.constant 0 : i32
      %ne3A_339 = arith.cmpi ne, %rem3A_337, %ne3A_338 : i32
      %lt3A_340 = arith.constant 0 : i32
      %lt3A_341 = arith.cmpi slt, %rem3A_337, %lt3A_340 : i32
      %lt3A_342 = arith.constant 0 : i32
      %lt3A_343 = arith.cmpi slt, %select_n3A_336, %lt3A_342 : i32
      %ne3A_344 = arith.xori %lt3A_341, %lt3A_343 : i1
      %and3A_345 = arith.andi %ne3A_344, %ne3A_339 : i1
      %add3A_346 = arith.addi %rem3A_337, %select_n3A_336 : i32
      %select_n3A_347 = arith.select %and3A_345, %add3A_346, %rem3A_337 : i32
      %eq3A_348 = vector.broadcast %select_n3A_347 : i32 to vector<16xi32>
      %eq3A_349 = arith.cmpi eq, %iota3A, %eq3A_348 : vector<16xi32>
      %broadcast_in_dim3A_350 = vector.broadcast %reduce_sum3A_318 : f32 to vector<16xf32>
      %select_n3A_351 = arith.select %eq3A_349, %broadcast_in_dim3A_350, %select_n3A_331 : vector<16xi1>, vector<16xf32>
      %jit3A_352 = arith.constant 16 : i32
      %eq3A_353 = arith.constant 0 : i32
      %eq3A_354 = arith.cmpi eq, %jit3A_352, %eq3A_353 : i32
      %jit3A_355 = arith.constant 1 : i32
      %select_n3A_356 = arith.select %eq3A_354, %jit3A_355, %jit3A_352 : i32
      %rem3A_357 = arith.remsi %add3A_145, %select_n3A_356 : i32
      %ne3A_358 = arith.constant 0 : i32
      %ne3A_359 = arith.cmpi ne, %rem3A_357, %ne3A_358 : i32
      %lt3A_360 = arith.constant 0 : i32
      %lt3A_361 = arith.cmpi slt, %rem3A_357, %lt3A_360 : i32
      %lt3A_362 = arith.constant 0 : i32
      %lt3A_363 = arith.cmpi slt, %select_n3A_356, %lt3A_362 : i32
      %ne3A_364 = arith.xori %lt3A_361, %lt3A_363 : i1
      %and3A_365 = arith.andi %ne3A_364, %ne3A_359 : i1
      %add3A_366 = arith.addi %rem3A_357, %select_n3A_356 : i32
      %select_n3A_367 = arith.select %and3A_365, %add3A_366, %rem3A_357 : i32
      %eq3A_368 = arith.constant 15 : i32
      %eq3A_369 = arith.cmpi eq, %select_n3A_367, %eq3A_368 : i32
      %convert_element_type3A = arith.extui %eq3A_369 : i1 to i32
      %cond3A = arith.constant 0 : i32
      %cond3A_370 = arith.cmpi ne, %convert_element_type3A, %cond3A : i32
      scf.if %cond3A_370 {
        %jit3A_371 = arith.constant 16 : i32
        %div3A_372 = arith.divsi %add3A_145, %jit3A_371 : i32
        %sign3A = arith.constant 0 : i32
        %sign3A_373 = arith.cmpi sgt, %add3A_145, %sign3A : i32
        %sign3A_374 = arith.extui %sign3A_373 : i1 to i32
        %sign3A_375 = arith.constant 0 : i32
        %sign3A_376 = arith.cmpi slt, %add3A_145, %sign3A_375 : i32
        %sign3A_377 = arith.extui %sign3A_376 : i1 to i32
        %sign3A_378 = arith.subi %sign3A_374, %sign3A_377 : i32
        %sign3A_379 = arith.constant 0 : i32
        %sign3A_380 = arith.cmpi sgt, %jit3A_371, %sign3A_379 : i32
        %sign3A_381 = arith.extui %sign3A_380 : i1 to i32
        %sign3A_382 = arith.constant 0 : i32
        %sign3A_383 = arith.cmpi slt, %jit3A_371, %sign3A_382 : i32
        %sign3A_384 = arith.extui %sign3A_383 : i1 to i32
        %sign3A_385 = arith.subi %sign3A_381, %sign3A_384 : i32
        %ne3A_386 = arith.cmpi ne, %sign3A_378, %sign3A_385 : i32
        %rem3A_387 = arith.remsi %add3A_145, %jit3A_371 : i32
        %ne3A_388 = arith.constant 0 : i32
        %ne3A_389 = arith.cmpi ne, %rem3A_387, %ne3A_388 : i32
        %and3A_390 = arith.andi %ne3A_386, %ne3A_389 : i1
        %sub3A = arith.constant 1 : i32
        %sub3A_391 = arith.subi %div3A_372, %sub3A : i32
        %select_n3A_392 = arith.select %and3A_390, %sub3A_391, %div3A_372 : i32
        %mul3A_393 = arith.constant 16 : i32
        %mul3A_394 = arith.muli %select_n3A_392, %mul3A_393 : i32
        %swap3A_395 = arith.index_cast %mul3A_394 : i32 to index
        %swap3A_396 = tpu.vector_load %arg11[%swap3A_395] {strides = array<i32>} : memref<128xf32, #tpu.memory_space<vmem>>, vector<16xf32>,
        tpu.vector_store %arg11[%swap3A_395], %select_n3A_351 {strides = array<i32>} : memref<128xf32, #tpu.memory_space<vmem>>, vector<16xf32>,
      } else {
      }
      scf.yield %select_n3A_351 : vector<16xf32>
    }
    %scan3A_10 = arith.constant 64 : i32
    %mul3A_11 = arith.constant 200 : i32
    %mul3A_12 = arith.muli %mul3A_2, %mul3A_11 : i32
    "tpu.region"() ({
      %run_scoped3A = tpu.sem_alloc : memref<!tpu.dma_semaphore, #tpu.memory_space<semaphore_mem>>
      %dma_start3A = tpu.memref_slice %arg3[%mul3A_12] : memref<819200xi32, #tpu.memory_space<hbm>> -> memref<25600xi32, #tpu.memory_space<hbm>>
      %dma_start3A_138 = tpu.memref_slice %arg3[%mul3A_12] : memref<819200xi32, #tpu.memory_space<hbm>> -> memref<25600xi32, #tpu.memory_space<hbm>>
      tpu.enqueue_dma source(%dma_start3A_138 : memref<25600xi32, #tpu.memory_space<hbm>>) target(%arg7 : memref<25600xi32, #tpu.memory_space<vmem>>) target_semaphore(%run_scoped3A : memref<!tpu.dma_semaphore, #tpu.memory_space<semaphore_mem>>)
      %dma_wait3A = tpu.memref_slice %arg3[%mul3A_12] : memref<819200xi32, #tpu.memory_space<hbm>> -> memref<25600xi32, #tpu.memory_space<hbm>>
      %dma_wait3A_139 = tpu.memref_slice %arg3[%mul3A_12] : memref<819200xi32, #tpu.memory_space<hbm>> -> memref<25600xi32, #tpu.memory_space<hbm>>
      tpu.wait_dma2 semaphore(%run_scoped3A : memref<!tpu.dma_semaphore, #tpu.memory_space<semaphore_mem>>) src(%dma_wait3A_139 : memref<25600xi32, #tpu.memory_space<hbm>>) dst(%arg7 : memref<25600xi32, #tpu.memory_space<vmem>>)
      tpu.yield
    }) : () -> ()
    %broadcast_in_dim3A_13 = arith.constant 0.000000e+00 : f32
    %broadcast_in_dim3A_14 = vector.broadcast %broadcast_in_dim3A_13 : f32 to vector<16xf32>
    %scan3A_15 = arith.constant 0 : i32
    %scan3A_16 = arith.constant 64 : i32
    %scan3A_17 = arith.addi %scan3A_15, %scan3A_16 : i32
    %scan3A_18 = arith.constant 1 : i32
    %scan3A_19 = scf.for %scan3A_138 = %scan3A_15 to %scan3A_17 step %scan3A_18 iter_args(%scan3A_139 = %broadcast_in_dim3A_14) -> (vector<16xf32>)  : i32 {
      %mul3A_140 = arith.constant 2 : i32
      %mul3A_141 = arith.muli %mul3A_140, %scan3A_138 : i32
      %mul3A_142 = arith.constant 2 : i32
      %mul3A_143 = arith.muli %mul3A_142, %scan3A_138 : i32
      %add3A_144 = arith.constant 1 : i32
      %add3A_145 = arith.addi %mul3A_143, %add3A_144 : i32
      %mul3A_146 = arith.constant 200 : i32
      %mul3A_147 = arith.muli %mul3A_141, %mul3A_146 : i32
      %dma_start3A = arith.constant 0 : i32
      %dma_start3A_148 = arith.constant 0 : i32
      %dma_start3A_149 = tpu.memref_slice %arg8[%dma_start3A, %dma_start3A_148] : memref<200x128xf32, #tpu.memory_space<vmem>> -> memref<96x128xf32, #tpu.memory_space<vmem>>
      %dma_start3A_150 = tpu.memref_slice %arg7[%mul3A_147] : memref<25600xi32, #tpu.memory_space<vmem>> -> memref<96xi32, #tpu.memory_space<vmem>>
      %dma_start3A_151 = arith.constant 0 : i32
      %dma_start3A_152 = arith.constant 0 : i32
      %dma_start3A_153 = tpu.memref_slice %arg4[%dma_start3A_151, %dma_start3A_152] : memref<1000000x128xf32, #tpu.memory_space<hbm>> -> memref<1000000x128xf32, #tpu.memory_space<hbm>>
      tpu.enqueue_indirect_dma source(%dma_start3A_153 : memref<1000000x128xf32, #tpu.memory_space<hbm>>) target(%dma_start3A_149 : memref<96x128xf32, #tpu.memory_space<vmem>>) offsets(%dma_start3A_150 : memref<96xi32, #tpu.memory_space<vmem>>) semaphore(%arg12 : memref<!tpu.dma_semaphore, #tpu.memory_space<semaphore_mem>>)
      %mul3A_154 = arith.constant 200 : i32
      %mul3A_155 = arith.muli %mul3A_141, %mul3A_154 : i32
      %add3A_156 = arith.constant 96 : i32
      %add3A_157 = arith.addi %mul3A_155, %add3A_156 : i32
      %dma_start3A_158 = arith.constant 96 : i32
      %dma_start3A_159 = arith.constant 0 : i32
      %dma_start3A_160 = tpu.memref_slice %arg8[%dma_start3A_158, %dma_start3A_159] : memref<200x128xf32, #tpu.memory_space<vmem>> -> memref<104x128xf32, #tpu.memory_space<vmem>>
      %dma_start3A_161 = tpu.memref_slice %arg7[%add3A_157] : memref<25600xi32, #tpu.memory_space<vmem>> -> memref<104xi32, #tpu.memory_space<vmem>>
      %dma_start3A_162 = arith.constant 0 : i32
      %dma_start3A_163 = arith.constant 0 : i32
      %dma_start3A_164 = tpu.memref_slice %arg4[%dma_start3A_162, %dma_start3A_163] : memref<1000000x128xf32, #tpu.memory_space<hbm>> -> memref<1000000x128xf32, #tpu.memory_space<hbm>>
      tpu.enqueue_indirect_dma source(%dma_start3A_164 : memref<1000000x128xf32, #tpu.memory_space<hbm>>) target(%dma_start3A_160 : memref<104x128xf32, #tpu.memory_space<vmem>>) offsets(%dma_start3A_161 : memref<104xi32, #tpu.memory_space<vmem>>) semaphore(%arg12 : memref<!tpu.dma_semaphore, #tpu.memory_space<semaphore_mem>>)
      %mul3A_165 = arith.constant 200 : i32
      %mul3A_166 = arith.muli %add3A_145, %mul3A_165 : i32
      %dma_start3A_167 = arith.constant 0 : i32
      %dma_start3A_168 = arith.constant 0 : i32
      %dma_start3A_169 = tpu.memref_slice %arg9[%dma_start3A_167, %dma_start3A_168] : memref<200x128xf32, #tpu.memory_space<vmem>> -> memref<96x128xf32, #tpu.memory_space<vmem>>
      %dma_start3A_170 = tpu.memref_slice %arg7[%mul3A_166] : memref<25600xi32, #tpu.memory_space<vmem>> -> memref<96xi32, #tpu.memory_space<vmem>>
      %dma_start3A_171 = arith.constant 0 : i32
      %dma_start3A_172 = arith.constant 0 : i32
      %dma_start3A_173 = tpu.memref_slice %arg4[%dma_start3A_171, %dma_start3A_172] : memref<1000000x128xf32, #tpu.memory_space<hbm>> -> memref<1000000x128xf32, #tpu.memory_space<hbm>>
      tpu.enqueue_indirect_dma source(%dma_start3A_173 : memref<1000000x128xf32, #tpu.memory_space<hbm>>) target(%dma_start3A_169 : memref<96x128xf32, #tpu.memory_space<vmem>>) offsets(%dma_start3A_170 : memref<96xi32, #tpu.memory_space<vmem>>) semaphore(%arg13 : memref<!tpu.dma_semaphore, #tpu.memory_space<semaphore_mem>>)
      %mul3A_174 = arith.constant 200 : i32
      %mul3A_175 = arith.muli %add3A_145, %mul3A_174 : i32
      %add3A_176 = arith.constant 96 : i32
      %add3A_177 = arith.addi %mul3A_175, %add3A_176 : i32
      %dma_start3A_178 = arith.constant 96 : i32
      %dma_start3A_179 = arith.constant 0 : i32
      %dma_start3A_180 = tpu.memref_slice %arg9[%dma_start3A_178, %dma_start3A_179] : memref<200x128xf32, #tpu.memory_space<vmem>> -> memref<104x128xf32, #tpu.memory_space<vmem>>
      %dma_start3A_181 = tpu.memref_slice %arg7[%add3A_177] : memref<25600xi32, #tpu.memory_space<vmem>> -> memref<104xi32, #tpu.memory_space<vmem>>
      %dma_start3A_182 = arith.constant 0 : i32
      %dma_start3A_183 = arith.constant 0 : i32
      %dma_start3A_184 = tpu.memref_slice %arg4[%dma_start3A_182, %dma_start3A_183] : memref<1000000x128xf32, #tpu.memory_space<hbm>> -> memref<1000000x128xf32, #tpu.memory_space<hbm>>
      tpu.enqueue_indirect_dma source(%dma_start3A_184 : memref<1000000x128xf32, #tpu.memory_space<hbm>>) target(%dma_start3A_180 : memref<104x128xf32, #tpu.memory_space<vmem>>) offsets(%dma_start3A_181 : memref<104xi32, #tpu.memory_space<vmem>>) semaphore(%arg13 : memref<!tpu.dma_semaphore, #tpu.memory_space<semaphore_mem>>)
      %dma_wait3A = arith.constant 0 : i32
      %dma_wait3A_185 = arith.constant 0 : i32
      %dma_wait3A_186 = tpu.memref_slice %arg8[%dma_wait3A, %dma_wait3A_185] : memref<200x128xf32, #tpu.memory_space<vmem>> -> memref<96x128xf32, #tpu.memory_space<vmem>>
      %dma_wait3A_187 = tpu.memref_slice %arg7[%mul3A_147] : memref<25600xi32, #tpu.memory_space<vmem>> -> memref<96xi32, #tpu.memory_space<vmem>>
      %dma_wait3A_188 = arith.constant 0 : i32
      %dma_wait3A_189 = arith.constant 0 : i32
      %dma_wait3A_190 = tpu.memref_slice %arg4[%dma_wait3A_188, %dma_wait3A_189] : memref<1000000x128xf32, #tpu.memory_space<hbm>> -> memref<1000000x128xf32, #tpu.memory_space<hbm>>
      tpu.wait_indirect_dma semaphore(%arg12 : memref<!tpu.dma_semaphore, #tpu.memory_space<semaphore_mem>>) src(%dma_wait3A_190 : memref<1000000x128xf32, #tpu.memory_space<hbm>>) dst(%dma_wait3A_186 : memref<96x128xf32, #tpu.memory_space<vmem>>)
      %dma_wait3A_191 = arith.constant 96 : i32
      %dma_wait3A_192 = arith.constant 0 : i32
      %dma_wait3A_193 = tpu.memref_slice %arg8[%dma_wait3A_191, %dma_wait3A_192] : memref<200x128xf32, #tpu.memory_space<vmem>> -> memref<104x128xf32, #tpu.memory_space<vmem>>
      %dma_wait3A_194 = tpu.memref_slice %arg7[%add3A_157] : memref<25600xi32, #tpu.memory_space<vmem>> -> memref<104xi32, #tpu.memory_space<vmem>>
      %dma_wait3A_195 = arith.constant 0 : i32
      %dma_wait3A_196 = arith.constant 0 : i32
      %dma_wait3A_197 = tpu.memref_slice %arg4[%dma_wait3A_195, %dma_wait3A_196] : memref<1000000x128xf32, #tpu.memory_space<hbm>> -> memref<1000000x128xf32, #tpu.memory_space<hbm>>
      tpu.wait_indirect_dma semaphore(%arg12 : memref<!tpu.dma_semaphore, #tpu.memory_space<semaphore_mem>>) src(%dma_wait3A_197 : memref<1000000x128xf32, #tpu.memory_space<hbm>>) dst(%dma_wait3A_193 : memref<104x128xf32, #tpu.memory_space<vmem>>)
      %broadcast_in_dim3A_198 = arith.constant 0xFF800000 : f32
      %broadcast_in_dim3A_199 = vector.broadcast %broadcast_in_dim3A_198 : f32 to vector<16xf32>
      %broadcast_in_dim3A_200 = arith.constant 0xFF800000 : f32
      %broadcast_in_dim3A_201 = vector.broadcast %broadcast_in_dim3A_200 : f32 to vector<16xf32>
      %broadcast_in_dim3A_202 = arith.constant 0xFF800000 : f32
      %broadcast_in_dim3A_203 = vector.broadcast %broadcast_in_dim3A_202 : f32 to vector<16xf32>
      %broadcast_in_dim3A_204 = arith.constant 0xFF800000 : f32
      %broadcast_in_dim3A_205 = vector.broadcast %broadcast_in_dim3A_204 : f32 to vector<16xf32>
      %broadcast_in_dim3A_206 = arith.constant 0xFF800000 : f32
      %broadcast_in_dim3A_207 = vector.broadcast %broadcast_in_dim3A_206 : f32 to vector<16xf32>
      %broadcast_in_dim3A_208 = arith.constant 0xFF800000 : f32
      %broadcast_in_dim3A_209 = vector.broadcast %broadcast_in_dim3A_208 : f32 to vector<16xf32>
      %broadcast_in_dim3A_210 = arith.constant 0xFF800000 : f32
      %broadcast_in_dim3A_211 = vector.broadcast %broadcast_in_dim3A_210 : f32 to vector<16xf32>
      %scan3A_212 = arith.constant 0 : i32
      %scan3A_213 = arith.constant 200 : i32
      %scan3A_214 = arith.addi %scan3A_212, %scan3A_213 : i32
      %scan3A_215 = arith.constant 4 : i32
      %scan3A_216:7 = scf.for %scan3A_371 = %scan3A_212 to %scan3A_214 step %scan3A_215 iter_args(%scan3A_372 = %broadcast_in_dim3A_199, %scan3A_373 = %broadcast_in_dim3A_201, %scan3A_374 = %broadcast_in_dim3A_203, %scan3A_375 = %broadcast_in_dim3A_205, %scan3A_376 = %broadcast_in_dim3A_207, %scan3A_377 = %broadcast_in_dim3A_209, %scan3A_378 = %broadcast_in_dim3A_211) -> (vector<16xf32>, vector<16xf32>, vector<16xf32>, vector<16xf32>, vector<16xf32>, vector<16xf32>, vector<16xf32>)  : i32 {
        %get3A_379 = arith.index_cast %scan3A_371 : i32 to index
        %get3A_380 = arith.constant 0 : index
        %get3A_381 = tpu.vector_load %arg8[%get3A_379, %get3A_380] {strides = array<i32>} : memref<200x128xf32, #tpu.memory_space<vmem>>, vector<16xf32>,
        %max3A = arith.maximumf %scan3A_372, %get3A_381 : vector<16xf32>
        %get3A_382 = arith.index_cast %scan3A_371 : i32 to index
        %get3A_383 = arith.constant 16 : index
        %get3A_384 = tpu.vector_load %arg8[%get3A_382, %get3A_383] {strides = array<i32>} : memref<200x128xf32, #tpu.memory_space<vmem>>, vector<16xf32>,
        %max3A_385 = arith.maximumf %scan3A_373, %get3A_384 : vector<16xf32>
        %get3A_386 = arith.index_cast %scan3A_371 : i32 to index
        %get3A_387 = arith.constant 32 : index
        %get3A_388 = tpu.vector_load %arg8[%get3A_386, %get3A_387] {strides = array<i32>} : memref<200x128xf32, #tpu.memory_space<vmem>>, vector<16xf32>,
        %max3A_389 = arith.maximumf %scan3A_374, %get3A_388 : vector<16xf32>
        %get3A_390 = arith.index_cast %scan3A_371 : i32 to index
        %get3A_391 = arith.constant 48 : index
        %get3A_392 = tpu.vector_load %arg8[%get3A_390, %get3A_391] {strides = array<i32>} : memref<200x128xf32, #tpu.memory_space<vmem>>, vector<16xf32>,
        %max3A_393 = arith.maximumf %scan3A_375, %get3A_392 : vector<16xf32>
        %get3A_394 = arith.index_cast %scan3A_371 : i32 to index
        %get3A_395 = arith.constant 64 : index
        %get3A_396 = tpu.vector_load %arg8[%get3A_394, %get3A_395] {strides = array<i32>} : memref<200x128xf32, #tpu.memory_space<vmem>>, vector<16xf32>,
        %max3A_397 = arith.maximumf %scan3A_376, %get3A_396 : vector<16xf32>
        %get3A_398 = arith.index_cast %scan3A_371 : i32 to index
        %get3A_399 = arith.constant 80 : index
        %get3A_400 = tpu.vector_load %arg8[%get3A_398, %get3A_399] {strides = array<i32>} : memref<200x128xf32, #tpu.memory_space<vmem>>, vector<16xf32>,
        %max3A_401 = arith.maximumf %scan3A_377, %get3A_400 : vector<16xf32>
        %get3A_402 = arith.index_cast %scan3A_371 : i32 to index
        %get3A_403 = arith.constant 84 : index
        %get3A_404 = tpu.vector_load %arg8[%get3A_402, %get3A_403] {strides = array<i32>} : memref<200x128xf32, #tpu.memory_space<vmem>>, vector<16xf32>,
        %max3A_405 = arith.maximumf %scan3A_378, %get3A_404 : vector<16xf32>
        %scan3A_406 = arith.constant 1 : i32
        %scan3A_407 = arith.addi %scan3A_371, %scan3A_406 : i32
        %get3A_408 = arith.index_cast %scan3A_407 : i32 to index
        %get3A_409 = arith.constant 0 : index
        %get3A_410 = tpu.vector_load %arg8[%get3A_408, %get3A_409] {strides = array<i32>} : memref<200x128xf32, #tpu.memory_space<vmem>>, vector<16xf32>,
        %max3A_411 = arith.maximumf %max3A, %get3A_410 : vector<16xf32>
        %get3A_412 = arith.index_cast %scan3A_407 : i32 to index
        %get3A_413 = arith.constant 16 : index
        %get3A_414 = tpu.vector_load %arg8[%get3A_412, %get3A_413] {strides = array<i32>} : memref<200x128xf32, #tpu.memory_space<vmem>>, vector<16xf32>,
        %max3A_415 = arith.maximumf %max3A_385, %get3A_414 : vector<16xf32>
        %get3A_416 = arith.index_cast %scan3A_407 : i32 to index
        %get3A_417 = arith.constant 32 : index
        %get3A_418 = tpu.vector_load %arg8[%get3A_416, %get3A_417] {strides = array<i32>} : memref<200x128xf32, #tpu.memory_space<vmem>>, vector<16xf32>,
        %max3A_419 = arith.maximumf %max3A_389, %get3A_418 : vector<16xf32>
        %get3A_420 = arith.index_cast %scan3A_407 : i32 to index
        %get3A_421 = arith.constant 48 : index
        %get3A_422 = tpu.vector_load %arg8[%get3A_420, %get3A_421] {strides = array<i32>} : memref<200x128xf32, #tpu.memory_space<vmem>>, vector<16xf32>,
        %max3A_423 = arith.maximumf %max3A_393, %get3A_422 : vector<16xf32>
        %get3A_424 = arith.index_cast %scan3A_407 : i32 to index
        %get3A_425 = arith.constant 64 : index
        %get3A_426 = tpu.vector_load %arg8[%get3A_424, %get3A_425] {strides = array<i32>} : memref<200x128xf32, #tpu.memory_space<vmem>>, vector<16xf32>,
        %max3A_427 = arith.maximumf %max3A_397, %get3A_426 : vector<16xf32>
        %get3A_428 = arith.index_cast %scan3A_407 : i32 to index
        %get3A_429 = arith.constant 80 : index
        %get3A_430 = tpu.vector_load %arg8[%get3A_428, %get3A_429] {strides = array<i32>} : memref<200x128xf32, #tpu.memory_space<vmem>>, vector<16xf32>,
        %max3A_431 = arith.maximumf %max3A_401, %get3A_430 : vector<16xf32>
        %get3A_432 = arith.index_cast %scan3A_407 : i32 to index
        %get3A_433 = arith.constant 84 : index
        %get3A_434 = tpu.vector_load %arg8[%get3A_432, %get3A_433] {strides = array<i32>} : memref<200x128xf32, #tpu.memory_space<vmem>>, vector<16xf32>,
        %max3A_435 = arith.maximumf %max3A_405, %get3A_434 : vector<16xf32>
        %scan3A_436 = arith.constant 2 : i32
        %scan3A_437 = arith.addi %scan3A_371, %scan3A_436 : i32
        %get3A_438 = arith.index_cast %scan3A_437 : i32 to index
        %get3A_439 = arith.constant 0 : index
        %get3A_440 = tpu.vector_load %arg8[%get3A_438, %get3A_439] {strides = array<i32>} : memref<200x128xf32, #tpu.memory_space<vmem>>, vector<16xf32>,
        %max3A_441 = arith.maximumf %max3A_411, %get3A_440 : vector<16xf32>
        %get3A_442 = arith.index_cast %scan3A_437 : i32 to index
        %get3A_443 = arith.constant 16 : index
        %get3A_444 = tpu.vector_load %arg8[%get3A_442, %get3A_443] {strides = array<i32>} : memref<200x128xf32, #tpu.memory_space<vmem>>, vector<16xf32>,
        %max3A_445 = arith.maximumf %max3A_415, %get3A_444 : vector<16xf32>
        %get3A_446 = arith.index_cast %scan3A_437 : i32 to index
        %get3A_447 = arith.constant 32 : index
        %get3A_448 = tpu.vector_load %arg8[%get3A_446, %get3A_447] {strides = array<i32>} : memref<200x128xf32, #tpu.memory_space<vmem>>, vector<16xf32>,
        %max3A_449 = arith.maximumf %max3A_419, %get3A_448 : vector<16xf32>
        %get3A_450 = arith.index_cast %scan3A_437 : i32 to index
        %get3A_451 = arith.constant 48 : index
        %get3A_452 = tpu.vector_load %arg8[%get3A_450, %get3A_451] {strides = array<i32>} : memref<200x128xf32, #tpu.memory_space<vmem>>, vector<16xf32>,
        %max3A_453 = arith.maximumf %max3A_423, %get3A_452 : vector<16xf32>
        %get3A_454 = arith.index_cast %scan3A_437 : i32 to index
        %get3A_455 = arith.constant 64 : index
        %get3A_456 = tpu.vector_load %arg8[%get3A_454, %get3A_455] {strides = array<i32>} : memref<200x128xf32, #tpu.memory_space<vmem>>, vector<16xf32>,
        %max3A_457 = arith.maximumf %max3A_427, %get3A_456 : vector<16xf32>
        %get3A_458 = arith.index_cast %scan3A_437 : i32 to index
        %get3A_459 = arith.constant 80 : index
        %get3A_460 = tpu.vector_load %arg8[%get3A_458, %get3A_459] {strides = array<i32>} : memref<200x128xf32, #tpu.memory_space<vmem>>, vector<16xf32>,
        %max3A_461 = arith.maximumf %max3A_431, %get3A_460 : vector<16xf32>
        %get3A_462 = arith.index_cast %scan3A_437 : i32 to index
        %get3A_463 = arith.constant 84 : index
        %get3A_464 = tpu.vector_load %arg8[%get3A_462, %get3A_463] {strides = array<i32>} : memref<200x128xf32, #tpu.memory_space<vmem>>, vector<16xf32>,
        %max3A_465 = arith.maximumf %max3A_435, %get3A_464 : vector<16xf32>
        %scan3A_466 = arith.constant 3 : i32
        %scan3A_467 = arith.addi %scan3A_371, %scan3A_466 : i32
        %get3A_468 = arith.index_cast %scan3A_467 : i32 to index
        %get3A_469 = arith.constant 0 : index
        %get3A_470 = tpu.vector_load %arg8[%get3A_468, %get3A_469] {strides = array<i32>} : memref<200x128xf32, #tpu.memory_space<vmem>>, vector<16xf32>,
        %max3A_471 = arith.maximumf %max3A_441, %get3A_470 : vector<16xf32>
        %get3A_472 = arith.index_cast %scan3A_467 : i32 to index
        %get3A_473 = arith.constant 16 : index
        %get3A_474 = tpu.vector_load %arg8[%get3A_472, %get3A_473] {strides = array<i32>} : memref<200x128xf32, #tpu.memory_space<vmem>>, vector<16xf32>,
        %max3A_475 = arith.maximumf %max3A_445, %get3A_474 : vector<16xf32>
        %get3A_476 = arith.index_cast %scan3A_467 : i32 to index
        %get3A_477 = arith.constant 32 : index
        %get3A_478 = tpu.vector_load %arg8[%get3A_476, %get3A_477] {strides = array<i32>} : memref<200x128xf32, #tpu.memory_space<vmem>>, vector<16xf32>,
        %max3A_479 = arith.maximumf %max3A_449, %get3A_478 : vector<16xf32>
        %get3A_480 = arith.index_cast %scan3A_467 : i32 to index
        %get3A_481 = arith.constant 48 : index
        %get3A_482 = tpu.vector_load %arg8[%get3A_480, %get3A_481] {strides = array<i32>} : memref<200x128xf32, #tpu.memory_space<vmem>>, vector<16xf32>,
        %max3A_483 = arith.maximumf %max3A_453, %get3A_482 : vector<16xf32>
        %get3A_484 = arith.index_cast %scan3A_467 : i32 to index
        %get3A_485 = arith.constant 64 : index
        %get3A_486 = tpu.vector_load %arg8[%get3A_484, %get3A_485] {strides = array<i32>} : memref<200x128xf32, #tpu.memory_space<vmem>>, vector<16xf32>,
        %max3A_487 = arith.maximumf %max3A_457, %get3A_486 : vector<16xf32>
        %get3A_488 = arith.index_cast %scan3A_467 : i32 to index
        %get3A_489 = arith.constant 80 : index
        %get3A_490 = tpu.vector_load %arg8[%get3A_488, %get3A_489] {strides = array<i32>} : memref<200x128xf32, #tpu.memory_space<vmem>>, vector<16xf32>,
        %max3A_491 = arith.maximumf %max3A_461, %get3A_490 : vector<16xf32>
        %get3A_492 = arith.index_cast %scan3A_467 : i32 to index
        %get3A_493 = arith.constant 84 : index
        %get3A_494 = tpu.vector_load %arg8[%get3A_492, %get3A_493] {strides = array<i32>} : memref<200x128xf32, #tpu.memory_space<vmem>>, vector<16xf32>,
        %max3A_495 = arith.maximumf %max3A_465, %get3A_494 : vector<16xf32>
        scf.yield %max3A_471, %max3A_475, %max3A_479, %max3A_483, %max3A_487, %max3A_491, %max3A_495 : vector<16xf32>, vector<16xf32>, vector<16xf32>, vector<16xf32>, vector<16xf32>, vector<16xf32>, vector<16xf32>
      }
      %scan3A_217 = arith.constant 200 : i32
      %broadcast_in_dim3A_218 = arith.constant 0.000000e+00 : f32
      %broadcast_in_dim3A_219 = vector.broadcast %broadcast_in_dim3A_218 : f32 to vector<16xf32>
      %get3A_220 = arith.constant 112 : index
      %get3A_221 = tpu.vector_load %arg10[%get3A_220] {strides = array<i32>} : memref<240xf32, #tpu.memory_space<vmem>>, vector<16xf32>,
      %mul3A_222 = arith.mulf %scan3A_216#0, %get3A_221 : vector<16xf32>
      %add3A_223 = arith.addf %broadcast_in_dim3A_219, %mul3A_222 : vector<16xf32>
      %get3A_224 = arith.constant 128 : index
      %get3A_225 = tpu.vector_load %arg10[%get3A_224] {strides = array<i32>} : memref<240xf32, #tpu.memory_space<vmem>>, vector<16xf32>,
      %mul3A_226 = arith.mulf %scan3A_216#1, %get3A_225 : vector<16xf32>
      %add3A_227 = arith.addf %add3A_223, %mul3A_226 : vector<16xf32>
      %get3A_228 = arith.constant 144 : index
      %get3A_229 = tpu.vector_load %arg10[%get3A_228] {strides = array<i32>} : memref<240xf32, #tpu.memory_space<vmem>>, vector<16xf32>,
      %mul3A_230 = arith.mulf %scan3A_216#2, %get3A_229 : vector<16xf32>
      %add3A_231 = arith.addf %add3A_227, %mul3A_230 : vector<16xf32>
      %get3A_232 = arith.constant 160 : index
      %get3A_233 = tpu.vector_load %arg10[%get3A_232] {strides = array<i32>} : memref<240xf32, #tpu.memory_space<vmem>>, vector<16xf32>,
      %mul3A_234 = arith.mulf %scan3A_216#3, %get3A_233 : vector<16xf32>
      %add3A_235 = arith.addf %add3A_231, %mul3A_234 : vector<16xf32>
      %get3A_236 = arith.constant 176 : index
      %get3A_237 = tpu.vector_load %arg10[%get3A_236] {strides = array<i32>} : memref<240xf32, #tpu.memory_space<vmem>>, vector<16xf32>,
      %mul3A_238 = arith.mulf %scan3A_216#4, %get3A_237 : vector<16xf32>
      %add3A_239 = arith.addf %add3A_235, %mul3A_238 : vector<16xf32>
      %get3A_240 = arith.constant 192 : index
      %get3A_241 = tpu.vector_load %arg10[%get3A_240] {strides = array<i32>} : memref<240xf32, #tpu.memory_space<vmem>>, vector<16xf32>,
      %mul3A_242 = arith.mulf %scan3A_216#5, %get3A_241 : vector<16xf32>
      %add3A_243 = arith.addf %add3A_239, %mul3A_242 : vector<16xf32>
      %get3A_244 = arith.constant 208 : index
      %get3A_245 = tpu.vector_load %arg10[%get3A_244] {strides = array<i32>} : memref<240xf32, #tpu.memory_space<vmem>>, vector<16xf32>,
      %mul3A_246 = arith.mulf %scan3A_216#6, %get3A_245 : vector<16xf32>
      %add3A_247 = arith.addf %add3A_243, %mul3A_246 : vector<16xf32>
      %reduce_sum3A = arith.constant true
      %reduce_sum3A_248 = vector.broadcast %reduce_sum3A : i1 to vector<16xi1>
      %reduce_sum3A_249 = tpu.scan <sum>, %add3A_247 masked %reduce_sum3A_248 : vector<16xf32>, vector<16xi1> -> vector<16xf32>
      %reduce_sum3A_250 = vector.extract %reduce_sum3A_249[15] : f32 from vector<16xf32>
      %dma_wait3A_251 = arith.constant 0 : i32
      %dma_wait3A_252 = arith.constant 0 : i32
      %dma_wait3A_253 = tpu.memref_slice %arg9[%dma_wait3A_251, %dma_wait3A_252] : memref<200x128xf32, #tpu.memory_space<vmem>> -> memref<96x128xf32, #tpu.memory_space<vmem>>
      %dma_wait3A_254 = tpu.memref_slice %arg7[%mul3A_166] : memref<25600xi32, #tpu.memory_space<vmem>> -> memref<96xi32, #tpu.memory_space<vmem>>
      %dma_wait3A_255 = arith.constant 0 : i32
      %dma_wait3A_256 = arith.constant 0 : i32
      %dma_wait3A_257 = tpu.memref_slice %arg4[%dma_wait3A_255, %dma_wait3A_256] : memref<1000000x128xf32, #tpu.memory_space<hbm>> -> memref<1000000x128xf32, #tpu.memory_space<hbm>>
      tpu.wait_indirect_dma semaphore(%arg13 : memref<!tpu.dma_semaphore, #tpu.memory_space<semaphore_mem>>) src(%dma_wait3A_257 : memref<1000000x128xf32, #tpu.memory_space<hbm>>) dst(%dma_wait3A_253 : memref<96x128xf32, #tpu.memory_space<vmem>>)
      %dma_wait3A_258 = arith.constant 96 : i32
      %dma_wait3A_259 = arith.constant 0 : i32
      %dma_wait3A_260 = tpu.memref_slice %arg9[%dma_wait3A_258, %dma_wait3A_259] : memref<200x128xf32, #tpu.memory_space<vmem>> -> memref<104x128xf32, #tpu.memory_space<vmem>>
      %dma_wait3A_261 = tpu.memref_slice %arg7[%add3A_177] : memref<25600xi32, #tpu.memory_space<vmem>> -> memref<104xi32, #tpu.memory_space<vmem>>
      %dma_wait3A_262 = arith.constant 0 : i32
      %dma_wait3A_263 = arith.constant 0 : i32
      %dma_wait3A_264 = tpu.memref_slice %arg4[%dma_wait3A_262, %dma_wait3A_263] : memref<1000000x128xf32, #tpu.memory_space<hbm>> -> memref<1000000x128xf32, #tpu.memory_space<hbm>>
      tpu.wait_indirect_dma semaphore(%arg13 : memref<!tpu.dma_semaphore, #tpu.memory_space<semaphore_mem>>) src(%dma_wait3A_264 : memref<1000000x128xf32, #tpu.memory_space<hbm>>) dst(%dma_wait3A_260 : memref<104x128xf32, #tpu.memory_space<vmem>>)
      %broadcast_in_dim3A_265 = arith.constant 0xFF800000 : f32
      %broadcast_in_dim3A_266 = vector.broadcast %broadcast_in_dim3A_265 : f32 to vector<16xf32>
      %broadcast_in_dim3A_267 = arith.constant 0xFF800000 : f32
      %broadcast_in_dim3A_268 = vector.broadcast %broadcast_in_dim3A_267 : f32 to vector<16xf32>
      %broadcast_in_dim3A_269 = arith.constant 0xFF800000 : f32
      %broadcast_in_dim3A_270 = vector.broadcast %broadcast_in_dim3A_269 : f32 to vector<16xf32>
      %broadcast_in_dim3A_271 = arith.constant 0xFF800000 : f32
      %broadcast_in_dim3A_272 = vector.broadcast %broadcast_in_dim3A_271 : f32 to vector<16xf32>
      %broadcast_in_dim3A_273 = arith.constant 0xFF800000 : f32
      %broadcast_in_dim3A_274 = vector.broadcast %broadcast_in_dim3A_273 : f32 to vector<16xf32>
      %broadcast_in_dim3A_275 = arith.constant 0xFF800000 : f32
      %broadcast_in_dim3A_276 = vector.broadcast %broadcast_in_dim3A_275 : f32 to vector<16xf32>
      %broadcast_in_dim3A_277 = arith.constant 0xFF800000 : f32
      %broadcast_in_dim3A_278 = vector.broadcast %broadcast_in_dim3A_277 : f32 to vector<16xf32>
      %scan3A_279 = arith.constant 0 : i32
      %scan3A_280 = arith.constant 200 : i32
      %scan3A_281 = arith.addi %scan3A_279, %scan3A_280 : i32
      %scan3A_282 = arith.constant 4 : i32
      %scan3A_283:7 = scf.for %scan3A_371 = %scan3A_279 to %scan3A_281 step %scan3A_282 iter_args(%scan3A_372 = %broadcast_in_dim3A_266, %scan3A_373 = %broadcast_in_dim3A_268, %scan3A_374 = %broadcast_in_dim3A_270, %scan3A_375 = %broadcast_in_dim3A_272, %scan3A_376 = %broadcast_in_dim3A_274, %scan3A_377 = %broadcast_in_dim3A_276, %scan3A_378 = %broadcast_in_dim3A_278) -> (vector<16xf32>, vector<16xf32>, vector<16xf32>, vector<16xf32>, vector<16xf32>, vector<16xf32>, vector<16xf32>)  : i32 {
        %get3A_379 = arith.index_cast %scan3A_371 : i32 to index
        %get3A_380 = arith.constant 0 : index
        %get3A_381 = tpu.vector_load %arg9[%get3A_379, %get3A_380] {strides = array<i32>} : memref<200x128xf32, #tpu.memory_space<vmem>>, vector<16xf32>,
        %max3A = arith.maximumf %scan3A_372, %get3A_381 : vector<16xf32>
        %get3A_382 = arith.index_cast %scan3A_371 : i32 to index
        %get3A_383 = arith.constant 16 : index
        %get3A_384 = tpu.vector_load %arg9[%get3A_382, %get3A_383] {strides = array<i32>} : memref<200x128xf32, #tpu.memory_space<vmem>>, vector<16xf32>,
        %max3A_385 = arith.maximumf %scan3A_373, %get3A_384 : vector<16xf32>
        %get3A_386 = arith.index_cast %scan3A_371 : i32 to index
        %get3A_387 = arith.constant 32 : index
        %get3A_388 = tpu.vector_load %arg9[%get3A_386, %get3A_387] {strides = array<i32>} : memref<200x128xf32, #tpu.memory_space<vmem>>, vector<16xf32>,
        %max3A_389 = arith.maximumf %scan3A_374, %get3A_388 : vector<16xf32>
        %get3A_390 = arith.index_cast %scan3A_371 : i32 to index
        %get3A_391 = arith.constant 48 : index
        %get3A_392 = tpu.vector_load %arg9[%get3A_390, %get3A_391] {strides = array<i32>} : memref<200x128xf32, #tpu.memory_space<vmem>>, vector<16xf32>,
        %max3A_393 = arith.maximumf %scan3A_375, %get3A_392 : vector<16xf32>
        %get3A_394 = arith.index_cast %scan3A_371 : i32 to index
        %get3A_395 = arith.constant 64 : index
        %get3A_396 = tpu.vector_load %arg9[%get3A_394, %get3A_395] {strides = array<i32>} : memref<200x128xf32, #tpu.memory_space<vmem>>, vector<16xf32>,
        %max3A_397 = arith.maximumf %scan3A_376, %get3A_396 : vector<16xf32>
        %get3A_398 = arith.index_cast %scan3A_371 : i32 to index
        %get3A_399 = arith.constant 80 : index
        %get3A_400 = tpu.vector_load %arg9[%get3A_398, %get3A_399] {strides = array<i32>} : memref<200x128xf32, #tpu.memory_space<vmem>>, vector<16xf32>,
        %max3A_401 = arith.maximumf %scan3A_377, %get3A_400 : vector<16xf32>
        %get3A_402 = arith.index_cast %scan3A_371 : i32 to index
        %get3A_403 = arith.constant 84 : index
        %get3A_404 = tpu.vector_load %arg9[%get3A_402, %get3A_403] {strides = array<i32>} : memref<200x128xf32, #tpu.memory_space<vmem>>, vector<16xf32>,
        %max3A_405 = arith.maximumf %scan3A_378, %get3A_404 : vector<16xf32>
        %scan3A_406 = arith.constant 1 : i32
        %scan3A_407 = arith.addi %scan3A_371, %scan3A_406 : i32
        %get3A_408 = arith.index_cast %scan3A_407 : i32 to index
        %get3A_409 = arith.constant 0 : index
        %get3A_410 = tpu.vector_load %arg9[%get3A_408, %get3A_409] {strides = array<i32>} : memref<200x128xf32, #tpu.memory_space<vmem>>, vector<16xf32>,
        %max3A_411 = arith.maximumf %max3A, %get3A_410 : vector<16xf32>
        %get3A_412 = arith.index_cast %scan3A_407 : i32 to index
        %get3A_413 = arith.constant 16 : index
        %get3A_414 = tpu.vector_load %arg9[%get3A_412, %get3A_413] {strides = array<i32>} : memref<200x128xf32, #tpu.memory_space<vmem>>, vector<16xf32>,
        %max3A_415 = arith.maximumf %max3A_385, %get3A_414 : vector<16xf32>
        %get3A_416 = arith.index_cast %scan3A_407 : i32 to index
        %get3A_417 = arith.constant 32 : index
        %get3A_418 = tpu.vector_load %arg9[%get3A_416, %get3A_417] {strides = array<i32>} : memref<200x128xf32, #tpu.memory_space<vmem>>, vector<16xf32>,
        %max3A_419 = arith.maximumf %max3A_389, %get3A_418 : vector<16xf32>
        %get3A_420 = arith.index_cast %scan3A_407 : i32 to index
        %get3A_421 = arith.constant 48 : index
        %get3A_422 = tpu.vector_load %arg9[%get3A_420, %get3A_421] {strides = array<i32>} : memref<200x128xf32, #tpu.memory_space<vmem>>, vector<16xf32>,
        %max3A_423 = arith.maximumf %max3A_393, %get3A_422 : vector<16xf32>
        %get3A_424 = arith.index_cast %scan3A_407 : i32 to index
        %get3A_425 = arith.constant 64 : index
        %get3A_426 = tpu.vector_load %arg9[%get3A_424, %get3A_425] {strides = array<i32>} : memref<200x128xf32, #tpu.memory_space<vmem>>, vector<16xf32>,
        %max3A_427 = arith.maximumf %max3A_397, %get3A_426 : vector<16xf32>
        %get3A_428 = arith.index_cast %scan3A_407 : i32 to index
        %get3A_429 = arith.constant 80 : index
        %get3A_430 = tpu.vector_load %arg9[%get3A_428, %get3A_429] {strides = array<i32>} : memref<200x128xf32, #tpu.memory_space<vmem>>, vector<16xf32>,
        %max3A_431 = arith.maximumf %max3A_401, %get3A_430 : vector<16xf32>
        %get3A_432 = arith.index_cast %scan3A_407 : i32 to index
        %get3A_433 = arith.constant 84 : index
        %get3A_434 = tpu.vector_load %arg9[%get3A_432, %get3A_433] {strides = array<i32>} : memref<200x128xf32, #tpu.memory_space<vmem>>, vector<16xf32>,
        %max3A_435 = arith.maximumf %max3A_405, %get3A_434 : vector<16xf32>
        %scan3A_436 = arith.constant 2 : i32
        %scan3A_437 = arith.addi %scan3A_371, %scan3A_436 : i32
        %get3A_438 = arith.index_cast %scan3A_437 : i32 to index
        %get3A_439 = arith.constant 0 : index
        %get3A_440 = tpu.vector_load %arg9[%get3A_438, %get3A_439] {strides = array<i32>} : memref<200x128xf32, #tpu.memory_space<vmem>>, vector<16xf32>,
        %max3A_441 = arith.maximumf %max3A_411, %get3A_440 : vector<16xf32>
        %get3A_442 = arith.index_cast %scan3A_437 : i32 to index
        %get3A_443 = arith.constant 16 : index
        %get3A_444 = tpu.vector_load %arg9[%get3A_442, %get3A_443] {strides = array<i32>} : memref<200x128xf32, #tpu.memory_space<vmem>>, vector<16xf32>,
        %max3A_445 = arith.maximumf %max3A_415, %get3A_444 : vector<16xf32>
        %get3A_446 = arith.index_cast %scan3A_437 : i32 to index
        %get3A_447 = arith.constant 32 : index
        %get3A_448 = tpu.vector_load %arg9[%get3A_446, %get3A_447] {strides = array<i32>} : memref<200x128xf32, #tpu.memory_space<vmem>>, vector<16xf32>,
        %max3A_449 = arith.maximumf %max3A_419, %get3A_448 : vector<16xf32>
        %get3A_450 = arith.index_cast %scan3A_437 : i32 to index
        %get3A_451 = arith.constant 48 : index
        %get3A_452 = tpu.vector_load %arg9[%get3A_450, %get3A_451] {strides = array<i32>} : memref<200x128xf32, #tpu.memory_space<vmem>>, vector<16xf32>,
        %max3A_453 = arith.maximumf %max3A_423, %get3A_452 : vector<16xf32>
        %get3A_454 = arith.index_cast %scan3A_437 : i32 to index
        %get3A_455 = arith.constant 64 : index
        %get3A_456 = tpu.vector_load %arg9[%get3A_454, %get3A_455] {strides = array<i32>} : memref<200x128xf32, #tpu.memory_space<vmem>>, vector<16xf32>,
        %max3A_457 = arith.maximumf %max3A_427, %get3A_456 : vector<16xf32>
        %get3A_458 = arith.index_cast %scan3A_437 : i32 to index
        %get3A_459 = arith.constant 80 : index
        %get3A_460 = tpu.vector_load %arg9[%get3A_458, %get3A_459] {strides = array<i32>} : memref<200x128xf32, #tpu.memory_space<vmem>>, vector<16xf32>,
        %max3A_461 = arith.maximumf %max3A_431, %get3A_460 : vector<16xf32>
        %get3A_462 = arith.index_cast %scan3A_437 : i32 to index
        %get3A_463 = arith.constant 84 : index
        %get3A_464 = tpu.vector_load %arg9[%get3A_462, %get3A_463] {strides = array<i32>} : memref<200x128xf32, #tpu.memory_space<vmem>>, vector<16xf32>,
        %max3A_465 = arith.maximumf %max3A_435, %get3A_464 : vector<16xf32>
        %scan3A_466 = arith.constant 3 : i32
        %scan3A_467 = arith.addi %scan3A_371, %scan3A_466 : i32
        %get3A_468 = arith.index_cast %scan3A_467 : i32 to index
        %get3A_469 = arith.constant 0 : index
        %get3A_470 = tpu.vector_load %arg9[%get3A_468, %get3A_469] {strides = array<i32>} : memref<200x128xf32, #tpu.memory_space<vmem>>, vector<16xf32>,
        %max3A_471 = arith.maximumf %max3A_441, %get3A_470 : vector<16xf32>
        %get3A_472 = arith.index_cast %scan3A_467 : i32 to index
        %get3A_473 = arith.constant 16 : index
        %get3A_474 = tpu.vector_load %arg9[%get3A_472, %get3A_473] {strides = array<i32>} : memref<200x128xf32, #tpu.memory_space<vmem>>, vector<16xf32>,
        %max3A_475 = arith.maximumf %max3A_445, %get3A_474 : vector<16xf32>
        %get3A_476 = arith.index_cast %scan3A_467 : i32 to index
        %get3A_477 = arith.constant 32 : index
        %get3A_478 = tpu.vector_load %arg9[%get3A_476, %get3A_477] {strides = array<i32>} : memref<200x128xf32, #tpu.memory_space<vmem>>, vector<16xf32>,
        %max3A_479 = arith.maximumf %max3A_449, %get3A_478 : vector<16xf32>
        %get3A_480 = arith.index_cast %scan3A_467 : i32 to index
        %get3A_481 = arith.constant 48 : index
        %get3A_482 = tpu.vector_load %arg9[%get3A_480, %get3A_481] {strides = array<i32>} : memref<200x128xf32, #tpu.memory_space<vmem>>, vector<16xf32>,
        %max3A_483 = arith.maximumf %max3A_453, %get3A_482 : vector<16xf32>
        %get3A_484 = arith.index_cast %scan3A_467 : i32 to index
        %get3A_485 = arith.constant 64 : index
        %get3A_486 = tpu.vector_load %arg9[%get3A_484, %get3A_485] {strides = array<i32>} : memref<200x128xf32, #tpu.memory_space<vmem>>, vector<16xf32>,
        %max3A_487 = arith.maximumf %max3A_457, %get3A_486 : vector<16xf32>
        %get3A_488 = arith.index_cast %scan3A_467 : i32 to index
        %get3A_489 = arith.constant 80 : index
        %get3A_490 = tpu.vector_load %arg9[%get3A_488, %get3A_489] {strides = array<i32>} : memref<200x128xf32, #tpu.memory_space<vmem>>, vector<16xf32>,
        %max3A_491 = arith.maximumf %max3A_461, %get3A_490 : vector<16xf32>
        %get3A_492 = arith.index_cast %scan3A_467 : i32 to index
        %get3A_493 = arith.constant 84 : index
        %get3A_494 = tpu.vector_load %arg9[%get3A_492, %get3A_493] {strides = array<i32>} : memref<200x128xf32, #tpu.memory_space<vmem>>, vector<16xf32>,
        %max3A_495 = arith.maximumf %max3A_465, %get3A_494 : vector<16xf32>
        scf.yield %max3A_471, %max3A_475, %max3A_479, %max3A_483, %max3A_487, %max3A_491, %max3A_495 : vector<16xf32>, vector<16xf32>, vector<16xf32>, vector<16xf32>, vector<16xf32>, vector<16xf32>, vector<16xf32>
      }
      %scan3A_284 = arith.constant 200 : i32
      %broadcast_in_dim3A_285 = arith.constant 0.000000e+00 : f32
      %broadcast_in_dim3A_286 = vector.broadcast %broadcast_in_dim3A_285 : f32 to vector<16xf32>
      %get3A_287 = arith.constant 112 : index
      %get3A_288 = tpu.vector_load %arg10[%get3A_287] {strides = array<i32>} : memref<240xf32, #tpu.memory_space<vmem>>, vector<16xf32>,
      %mul3A_289 = arith.mulf %scan3A_283#0, %get3A_288 : vector<16xf32>
      %add3A_290 = arith.addf %broadcast_in_dim3A_286, %mul3A_289 : vector<16xf32>
      %get3A_291 = arith.constant 128 : index
      %get3A_292 = tpu.vector_load %arg10[%get3A_291] {strides = array<i32>} : memref<240xf32, #tpu.memory_space<vmem>>, vector<16xf32>,
      %mul3A_293 = arith.mulf %scan3A_283#1, %get3A_292 : vector<16xf32>
      %add3A_294 = arith.addf %add3A_290, %mul3A_293 : vector<16xf32>
      %get3A_295 = arith.constant 144 : index
      %get3A_296 = tpu.vector_load %arg10[%get3A_295] {strides = array<i32>} : memref<240xf32, #tpu.memory_space<vmem>>, vector<16xf32>,
      %mul3A_297 = arith.mulf %scan3A_283#2, %get3A_296 : vector<16xf32>
      %add3A_298 = arith.addf %add3A_294, %mul3A_297 : vector<16xf32>
      %get3A_299 = arith.constant 160 : index
      %get3A_300 = tpu.vector_load %arg10[%get3A_299] {strides = array<i32>} : memref<240xf32, #tpu.memory_space<vmem>>, vector<16xf32>,
      %mul3A_301 = arith.mulf %scan3A_283#3, %get3A_300 : vector<16xf32>
      %add3A_302 = arith.addf %add3A_298, %mul3A_301 : vector<16xf32>
      %get3A_303 = arith.constant 176 : index
      %get3A_304 = tpu.vector_load %arg10[%get3A_303] {strides = array<i32>} : memref<240xf32, #tpu.memory_space<vmem>>, vector<16xf32>,
      %mul3A_305 = arith.mulf %scan3A_283#4, %get3A_304 : vector<16xf32>
      %add3A_306 = arith.addf %add3A_302, %mul3A_305 : vector<16xf32>
      %get3A_307 = arith.constant 192 : index
      %get3A_308 = tpu.vector_load %arg10[%get3A_307] {strides = array<i32>} : memref<240xf32, #tpu.memory_space<vmem>>, vector<16xf32>,
      %mul3A_309 = arith.mulf %scan3A_283#5, %get3A_308 : vector<16xf32>
      %add3A_310 = arith.addf %add3A_306, %mul3A_309 : vector<16xf32>
      %get3A_311 = arith.constant 208 : index
      %get3A_312 = tpu.vector_load %arg10[%get3A_311] {strides = array<i32>} : memref<240xf32, #tpu.memory_space<vmem>>, vector<16xf32>,
      %mul3A_313 = arith.mulf %scan3A_283#6, %get3A_312 : vector<16xf32>
      %add3A_314 = arith.addf %add3A_310, %mul3A_313 : vector<16xf32>
      %reduce_sum3A_315 = arith.constant true
      %reduce_sum3A_316 = vector.broadcast %reduce_sum3A_315 : i1 to vector<16xi1>
      %reduce_sum3A_317 = tpu.scan <sum>, %add3A_314 masked %reduce_sum3A_316 : vector<16xf32>, vector<16xi1> -> vector<16xf32>
      %reduce_sum3A_318 = vector.extract %reduce_sum3A_317[15] : f32 from vector<16xf32>
      %jit3A = arith.constant 16 : i32
      %eq3A = arith.constant 0 : i32
      %eq3A_319 = arith.cmpi eq, %jit3A, %eq3A : i32
      %jit3A_320 = arith.constant 1 : i32
      %select_n3A = arith.select %eq3A_319, %jit3A_320, %jit3A : i32
      %rem3A = arith.remsi %mul3A_141, %select_n3A : i32
      %ne3A = arith.constant 0 : i32
      %ne3A_321 = arith.cmpi ne, %rem3A, %ne3A : i32
      %lt3A = arith.constant 0 : i32
      %lt3A_322 = arith.cmpi slt, %rem3A, %lt3A : i32
      %lt3A_323 = arith.constant 0 : i32
      %lt3A_324 = arith.cmpi slt, %select_n3A, %lt3A_323 : i32
      %ne3A_325 = arith.xori %lt3A_322, %lt3A_324 : i1
      %and3A = arith.andi %ne3A_325, %ne3A_321 : i1
      %add3A_326 = arith.addi %rem3A, %select_n3A : i32
      %select_n3A_327 = arith.select %and3A, %add3A_326, %rem3A : i32
      %eq3A_328 = vector.broadcast %select_n3A_327 : i32 to vector<16xi32>
      %eq3A_329 = arith.cmpi eq, %iota3A, %eq3A_328 : vector<16xi32>
      %broadcast_in_dim3A_330 = vector.broadcast %reduce_sum3A_250 : f32 to vector<16xf32>
      %select_n3A_331 = arith.select %eq3A_329, %broadcast_in_dim3A_330, %scan3A_139 : vector<16xi1>, vector<16xf32>
      %jit3A_332 = arith.constant 16 : i32
      %eq3A_333 = arith.constant 0 : i32
      %eq3A_334 = arith.cmpi eq, %jit3A_332, %eq3A_333 : i32
      %jit3A_335 = arith.constant 1 : i32
      %select_n3A_336 = arith.select %eq3A_334, %jit3A_335, %jit3A_332 : i32
      %rem3A_337 = arith.remsi %add3A_145, %select_n3A_336 : i32
      %ne3A_338 = arith.constant 0 : i32
      %ne3A_339 = arith.cmpi ne, %rem3A_337, %ne3A_338 : i32
      %lt3A_340 = arith.constant 0 : i32
      %lt3A_341 = arith.cmpi slt, %rem3A_337, %lt3A_340 : i32
      %lt3A_342 = arith.constant 0 : i32
      %lt3A_343 = arith.cmpi slt, %select_n3A_336, %lt3A_342 : i32
      %ne3A_344 = arith.xori %lt3A_341, %lt3A_343 : i1
      %and3A_345 = arith.andi %ne3A_344, %ne3A_339 : i1
      %add3A_346 = arith.addi %rem3A_337, %select_n3A_336 : i32
      %select_n3A_347 = arith.select %and3A_345, %add3A_346, %rem3A_337 : i32
      %eq3A_348 = vector.broadcast %select_n3A_347 : i32 to vector<16xi32>
      %eq3A_349 = arith.cmpi eq, %iota3A, %eq3A_348 : vector<16xi32>
      %broadcast_in_dim3A_350 = vector.broadcast %reduce_sum3A_318 : f32 to vector<16xf32>
      %select_n3A_351 = arith.select %eq3A_349, %broadcast_in_dim3A_350, %select_n3A_331 : vector<16xi1>, vector<16xf32>
      %jit3A_352 = arith.constant 16 : i32
      %eq3A_353 = arith.constant 0 : i32
      %eq3A_354 = arith.cmpi eq, %jit3A_352, %eq3A_353 : i32
      %jit3A_355 = arith.constant 1 : i32
      %select_n3A_356 = arith.select %eq3A_354, %jit3A_355, %jit3A_352 : i32
      %rem3A_357 = arith.remsi %add3A_145, %select_n3A_356 : i32
      %ne3A_358 = arith.constant 0 : i32
      %ne3A_359 = arith.cmpi ne, %rem3A_357, %ne3A_358 : i32
      %lt3A_360 = arith.constant 0 : i32
      %lt3A_361 = arith.cmpi slt, %rem3A_357, %lt3A_360 : i32
      %lt3A_362 = arith.constant 0 : i32
      %lt3A_363 = arith.cmpi slt, %select_n3A_356, %lt3A_362 : i32
      %ne3A_364 = arith.xori %lt3A_361, %lt3A_363 : i1
      %and3A_365 = arith.andi %ne3A_364, %ne3A_359 : i1
      %add3A_366 = arith.addi %rem3A_357, %select_n3A_356 : i32
      %select_n3A_367 = arith.select %and3A_365, %add3A_366, %rem3A_357 : i32
      %eq3A_368 = arith.constant 15 : i32
      %eq3A_369 = arith.cmpi eq, %select_n3A_367, %eq3A_368 : i32
      %convert_element_type3A = arith.extui %eq3A_369 : i1 to i32
      %cond3A = arith.constant 0 : i32
      %cond3A_370 = arith.cmpi ne, %convert_element_type3A, %cond3A : i32
      scf.if %cond3A_370 {
        %jit3A_371 = arith.constant 16 : i32
        %div3A_372 = arith.divsi %add3A_145, %jit3A_371 : i32
        %sign3A = arith.constant 0 : i32
        %sign3A_373 = arith.cmpi sgt, %add3A_145, %sign3A : i32
        %sign3A_374 = arith.extui %sign3A_373 : i1 to i32
        %sign3A_375 = arith.constant 0 : i32
        %sign3A_376 = arith.cmpi slt, %add3A_145, %sign3A_375 : i32
        %sign3A_377 = arith.extui %sign3A_376 : i1 to i32
        %sign3A_378 = arith.subi %sign3A_374, %sign3A_377 : i32
        %sign3A_379 = arith.constant 0 : i32
        %sign3A_380 = arith.cmpi sgt, %jit3A_371, %sign3A_379 : i32
        %sign3A_381 = arith.extui %sign3A_380 : i1 to i32
        %sign3A_382 = arith.constant 0 : i32
        %sign3A_383 = arith.cmpi slt, %jit3A_371, %sign3A_382 : i32
        %sign3A_384 = arith.extui %sign3A_383 : i1 to i32
        %sign3A_385 = arith.subi %sign3A_381, %sign3A_384 : i32
        %ne3A_386 = arith.cmpi ne, %sign3A_378, %sign3A_385 : i32
        %rem3A_387 = arith.remsi %add3A_145, %jit3A_371 : i32
        %ne3A_388 = arith.constant 0 : i32
        %ne3A_389 = arith.cmpi ne, %rem3A_387, %ne3A_388 : i32
        %and3A_390 = arith.andi %ne3A_386, %ne3A_389 : i1
        %sub3A = arith.constant 1 : i32
        %sub3A_391 = arith.subi %div3A_372, %sub3A : i32
        %select_n3A_392 = arith.select %and3A_390, %sub3A_391, %div3A_372 : i32
        %mul3A_393 = arith.constant 16 : i32
        %mul3A_394 = arith.muli %select_n3A_392, %mul3A_393 : i32
        %get3A_395 = arith.index_cast %mul3A_394 : i32 to index
        %get3A_396 = tpu.vector_load %arg11[%get3A_395] {strides = array<i32>} : memref<128xf32, #tpu.memory_space<vmem>>, vector<16xf32>,
        %add3A_397 = arith.addf %get3A_396, %select_n3A_351 : vector<16xf32>
        %swap3A_398 = arith.index_cast %mul3A_394 : i32 to index
        %swap3A_399 = tpu.vector_load %arg11[%swap3A_398] {strides = array<i32>} : memref<128xf32, #tpu.memory_space<vmem>>, vector<16xf32>,
        tpu.vector_store %arg11[%swap3A_398], %add3A_397 {strides = array<i32>} : memref<128xf32, #tpu.memory_space<vmem>>, vector<16xf32>,
      } else {
      }
      scf.yield %select_n3A_351 : vector<16xf32>
    }
    %scan3A_20 = arith.constant 64 : i32
    %get3A = arith.constant 224 : index
    %get3A_21 = tpu.vector_load %arg10[%get3A] {strides = array<i32>} : memref<240xf32, #tpu.memory_space<vmem>>, vector<16xf32>,
    %get3A_22 = arith.constant 0 : index
    %get3A_23 = tpu.vector_load %arg11[%get3A_22] {strides = array<i32>} : memref<128xf32, #tpu.memory_space<vmem>>, vector<16xf32>,
    %add3A_24 = arith.addf %get3A_23, %get3A_21 : vector<16xf32>
    %neg3A = arith.constant 0.000000e+00 : f32
    %neg3A_25 = vector.broadcast %neg3A : f32 to vector<16xf32>
    %neg3A_26 = arith.subf %neg3A_25, %add3A_24 : vector<16xf32>
    %exp3A = math.exp %neg3A_26 : vector<16xf32>
    %add3A_27 = arith.constant 1.000000e+00 : f32
    %add3A_28 = vector.broadcast %add3A_27 : f32 to vector<16xf32>
    %add3A_29 = arith.addf %add3A_28, %exp3A : vector<16xf32>
    %div3A = arith.constant 1.000000e+00 : f32
    %div3A_30 = vector.broadcast %div3A : f32 to vector<16xf32>
    %div3A_31 = arith.divf %div3A_30, %add3A_29 : vector<16xf32>
    %swap3A = arith.constant 0 : index
    %swap3A_32 = tpu.vector_load %arg11[%swap3A] {strides = array<i32>} : memref<128xf32, #tpu.memory_space<vmem>>, vector<16xf32>,
    tpu.vector_store %arg11[%swap3A], %div3A_31 {strides = array<i32>} : memref<128xf32, #tpu.memory_space<vmem>>, vector<16xf32>,
    %get3A_33 = arith.constant 16 : index
    %get3A_34 = tpu.vector_load %arg11[%get3A_33] {strides = array<i32>} : memref<128xf32, #tpu.memory_space<vmem>>, vector<16xf32>,
    %add3A_35 = arith.addf %get3A_34, %get3A_21 : vector<16xf32>
    %neg3A_36 = arith.constant 0.000000e+00 : f32
    %neg3A_37 = vector.broadcast %neg3A_36 : f32 to vector<16xf32>
    %neg3A_38 = arith.subf %neg3A_37, %add3A_35 : vector<16xf32>
    %exp3A_39 = math.exp %neg3A_38 : vector<16xf32>
    %add3A_40 = arith.constant 1.000000e+00 : f32
    %add3A_41 = vector.broadcast %add3A_40 : f32 to vector<16xf32>
    %add3A_42 = arith.addf %add3A_41, %exp3A_39 : vector<16xf32>
    %div3A_43 = arith.constant 1.000000e+00 : f32
    %div3A_44 = vector.broadcast %div3A_43 : f32 to vector<16xf32>
    %div3A_45 = arith.divf %div3A_44, %add3A_42 : vector<16xf32>
    %swap3A_46 = arith.constant 16 : index
    %swap3A_47 = tpu.vector_load %arg11[%swap3A_46] {strides = array<i32>} : memref<128xf32, #tpu.memory_space<vmem>>, vector<16xf32>,
    tpu.vector_store %arg11[%swap3A_46], %div3A_45 {strides = array<i32>} : memref<128xf32, #tpu.memory_space<vmem>>, vector<16xf32>,
    %get3A_48 = arith.constant 32 : index
    %get3A_49 = tpu.vector_load %arg11[%get3A_48] {strides = array<i32>} : memref<128xf32, #tpu.memory_space<vmem>>, vector<16xf32>,
    %add3A_50 = arith.addf %get3A_49, %get3A_21 : vector<16xf32>
    %neg3A_51 = arith.constant 0.000000e+00 : f32
    %neg3A_52 = vector.broadcast %neg3A_51 : f32 to vector<16xf32>
    %neg3A_53 = arith.subf %neg3A_52, %add3A_50 : vector<16xf32>
    %exp3A_54 = math.exp %neg3A_53 : vector<16xf32>
    %add3A_55 = arith.constant 1.000000e+00 : f32
    %add3A_56 = vector.broadcast %add3A_55 : f32 to vector<16xf32>
    %add3A_57 = arith.addf %add3A_56, %exp3A_54 : vector<16xf32>
    %div3A_58 = arith.constant 1.000000e+00 : f32
    %div3A_59 = vector.broadcast %div3A_58 : f32 to vector<16xf32>
    %div3A_60 = arith.divf %div3A_59, %add3A_57 : vector<16xf32>
    %swap3A_61 = arith.constant 32 : index
    %swap3A_62 = tpu.vector_load %arg11[%swap3A_61] {strides = array<i32>} : memref<128xf32, #tpu.memory_space<vmem>>, vector<16xf32>,
    tpu.vector_store %arg11[%swap3A_61], %div3A_60 {strides = array<i32>} : memref<128xf32, #tpu.memory_space<vmem>>, vector<16xf32>,
    %get3A_63 = arith.constant 48 : index
    %get3A_64 = tpu.vector_load %arg11[%get3A_63] {strides = array<i32>} : memref<128xf32, #tpu.memory_space<vmem>>, vector<16xf32>,
    %add3A_65 = arith.addf %get3A_64, %get3A_21 : vector<16xf32>
    %neg3A_66 = arith.constant 0.000000e+00 : f32
    %neg3A_67 = vector.broadcast %neg3A_66 : f32 to vector<16xf32>
    %neg3A_68 = arith.subf %neg3A_67, %add3A_65 : vector<16xf32>
    %exp3A_69 = math.exp %neg3A_68 : vector<16xf32>
    %add3A_70 = arith.constant 1.000000e+00 : f32
    %add3A_71 = vector.broadcast %add3A_70 : f32 to vector<16xf32>
    %add3A_72 = arith.addf %add3A_71, %exp3A_69 : vector<16xf32>
    %div3A_73 = arith.constant 1.000000e+00 : f32
    %div3A_74 = vector.broadcast %div3A_73 : f32 to vector<16xf32>
    %div3A_75 = arith.divf %div3A_74, %add3A_72 : vector<16xf32>
    %swap3A_76 = arith.constant 48 : index
    %swap3A_77 = tpu.vector_load %arg11[%swap3A_76] {strides = array<i32>} : memref<128xf32, #tpu.memory_space<vmem>>, vector<16xf32>,
    tpu.vector_store %arg11[%swap3A_76], %div3A_75 {strides = array<i32>} : memref<128xf32, #tpu.memory_space<vmem>>, vector<16xf32>,
    %get3A_78 = arith.constant 64 : index
    %get3A_79 = tpu.vector_load %arg11[%get3A_78] {strides = array<i32>} : memref<128xf32, #tpu.memory_space<vmem>>, vector<16xf32>,
    %add3A_80 = arith.addf %get3A_79, %get3A_21 : vector<16xf32>
    %neg3A_81 = arith.constant 0.000000e+00 : f32
    %neg3A_82 = vector.broadcast %neg3A_81 : f32 to vector<16xf32>
    %neg3A_83 = arith.subf %neg3A_82, %add3A_80 : vector<16xf32>
    %exp3A_84 = math.exp %neg3A_83 : vector<16xf32>
    %add3A_85 = arith.constant 1.000000e+00 : f32
    %add3A_86 = vector.broadcast %add3A_85 : f32 to vector<16xf32>
    %add3A_87 = arith.addf %add3A_86, %exp3A_84 : vector<16xf32>
    %div3A_88 = arith.constant 1.000000e+00 : f32
    %div3A_89 = vector.broadcast %div3A_88 : f32 to vector<16xf32>
    %div3A_90 = arith.divf %div3A_89, %add3A_87 : vector<16xf32>
    %swap3A_91 = arith.constant 64 : index
    %swap3A_92 = tpu.vector_load %arg11[%swap3A_91] {strides = array<i32>} : memref<128xf32, #tpu.memory_space<vmem>>, vector<16xf32>,
    tpu.vector_store %arg11[%swap3A_91], %div3A_90 {strides = array<i32>} : memref<128xf32, #tpu.memory_space<vmem>>, vector<16xf32>,
    %get3A_93 = arith.constant 80 : index
    %get3A_94 = tpu.vector_load %arg11[%get3A_93] {strides = array<i32>} : memref<128xf32, #tpu.memory_space<vmem>>, vector<16xf32>,
    %add3A_95 = arith.addf %get3A_94, %get3A_21 : vector<16xf32>
    %neg3A_96 = arith.constant 0.000000e+00 : f32
    %neg3A_97 = vector.broadcast %neg3A_96 : f32 to vector<16xf32>
    %neg3A_98 = arith.subf %neg3A_97, %add3A_95 : vector<16xf32>
    %exp3A_99 = math.exp %neg3A_98 : vector<16xf32>
    %add3A_100 = arith.constant 1.000000e+00 : f32
    %add3A_101 = vector.broadcast %add3A_100 : f32 to vector<16xf32>
    %add3A_102 = arith.addf %add3A_101, %exp3A_99 : vector<16xf32>
    %div3A_103 = arith.constant 1.000000e+00 : f32
    %div3A_104 = vector.broadcast %div3A_103 : f32 to vector<16xf32>
    %div3A_105 = arith.divf %div3A_104, %add3A_102 : vector<16xf32>
    %swap3A_106 = arith.constant 80 : index
    %swap3A_107 = tpu.vector_load %arg11[%swap3A_106] {strides = array<i32>} : memref<128xf32, #tpu.memory_space<vmem>>, vector<16xf32>,
    tpu.vector_store %arg11[%swap3A_106], %div3A_105 {strides = array<i32>} : memref<128xf32, #tpu.memory_space<vmem>>, vector<16xf32>,
    %get3A_108 = arith.constant 96 : index
    %get3A_109 = tpu.vector_load %arg11[%get3A_108] {strides = array<i32>} : memref<128xf32, #tpu.memory_space<vmem>>, vector<16xf32>,
    %add3A_110 = arith.addf %get3A_109, %get3A_21 : vector<16xf32>
    %neg3A_111 = arith.constant 0.000000e+00 : f32
    %neg3A_112 = vector.broadcast %neg3A_111 : f32 to vector<16xf32>
    %neg3A_113 = arith.subf %neg3A_112, %add3A_110 : vector<16xf32>
    %exp3A_114 = math.exp %neg3A_113 : vector<16xf32>
    %add3A_115 = arith.constant 1.000000e+00 : f32
    %add3A_116 = vector.broadcast %add3A_115 : f32 to vector<16xf32>
    %add3A_117 = arith.addf %add3A_116, %exp3A_114 : vector<16xf32>
    %div3A_118 = arith.constant 1.000000e+00 : f32
    %div3A_119 = vector.broadcast %div3A_118 : f32 to vector<16xf32>
    %div3A_120 = arith.divf %div3A_119, %add3A_117 : vector<16xf32>
    %swap3A_121 = arith.constant 96 : index
    %swap3A_122 = tpu.vector_load %arg11[%swap3A_121] {strides = array<i32>} : memref<128xf32, #tpu.memory_space<vmem>>, vector<16xf32>,
    tpu.vector_store %arg11[%swap3A_121], %div3A_120 {strides = array<i32>} : memref<128xf32, #tpu.memory_space<vmem>>, vector<16xf32>,
    %get3A_123 = arith.constant 112 : index
    %get3A_124 = tpu.vector_load %arg11[%get3A_123] {strides = array<i32>} : memref<128xf32, #tpu.memory_space<vmem>>, vector<16xf32>,
    %add3A_125 = arith.addf %get3A_124, %get3A_21 : vector<16xf32>
    %neg3A_126 = arith.constant 0.000000e+00 : f32
    %neg3A_127 = vector.broadcast %neg3A_126 : f32 to vector<16xf32>
    %neg3A_128 = arith.subf %neg3A_127, %add3A_125 : vector<16xf32>
    %exp3A_129 = math.exp %neg3A_128 : vector<16xf32>
    %add3A_130 = arith.constant 1.000000e+00 : f32
    %add3A_131 = vector.broadcast %add3A_130 : f32 to vector<16xf32>
    %add3A_132 = arith.addf %add3A_131, %exp3A_129 : vector<16xf32>
    %div3A_133 = arith.constant 1.000000e+00 : f32
    %div3A_134 = vector.broadcast %div3A_133 : f32 to vector<16xf32>
    %div3A_135 = arith.divf %div3A_134, %add3A_132 : vector<16xf32>
    %swap3A_136 = arith.constant 112 : index
    %swap3A_137 = tpu.vector_load %arg11[%swap3A_136] {strides = array<i32>} : memref<128xf32, #tpu.memory_space<vmem>>, vector<16xf32>,
    tpu.vector_store %arg11[%swap3A_136], %div3A_135 {strides = array<i32>} : memref<128xf32, #tpu.memory_space<vmem>>, vector<16xf32>,
    "tpu.region"() ({
      %run_scoped3A = tpu.sem_alloc : memref<!tpu.dma_semaphore, #tpu.memory_space<semaphore_mem>>
      %dma_start3A = tpu.memref_slice %arg6[%mul3A_2] : memref<4096xf32, #tpu.memory_space<hbm>> -> memref<128xf32, #tpu.memory_space<hbm>>
      %dma_start3A_138 = tpu.memref_slice %arg6[%mul3A_2] : memref<4096xf32, #tpu.memory_space<hbm>> -> memref<128xf32, #tpu.memory_space<hbm>>
      tpu.enqueue_dma source(%arg11 : memref<128xf32, #tpu.memory_space<vmem>>) target(%dma_start3A_138 : memref<128xf32, #tpu.memory_space<hbm>>) target_semaphore(%run_scoped3A : memref<!tpu.dma_semaphore, #tpu.memory_space<semaphore_mem>>)
      %dma_wait3A = tpu.memref_slice %arg6[%mul3A_2] : memref<4096xf32, #tpu.memory_space<hbm>> -> memref<128xf32, #tpu.memory_space<hbm>>
      %dma_wait3A_139 = tpu.memref_slice %arg6[%mul3A_2] : memref<4096xf32, #tpu.memory_space<hbm>> -> memref<128xf32, #tpu.memory_space<hbm>>
      tpu.wait_dma2 semaphore(%run_scoped3A : memref<!tpu.dma_semaphore, #tpu.memory_space<semaphore_mem>>) src(%arg11 : memref<128xf32, #tpu.memory_space<vmem>>) dst(%dma_wait3A_139 : memref<128xf32, #tpu.memory_space<hbm>>)
      tpu.yield
    }) : () -> ()
    return
  }
}

module attributes {stable_mosaic.version = 14 : i64} {
  func.func @body(%arg0: i32, %arg1: memref<4000x100xf32, #tpu.memory_space<vmem>>, %arg2: memref<4000x128xf32, #tpu.memory_space<vmem>>) attributes {dimension_semantics = [#tpu.dimension_semantics<arbitrary>], iteration_bounds = array<i64: 250>, scalar_prefetch = 0 : i64, scratch_operands = 0 : i64, tpu.core_type = #tpu.core_type<tc>, window_params = [{transform_indices = @transform_0, window_bounds = array<i64: 4000, 100>}, {transform_indices = @transform_1, window_bounds = array<i64: 4000, 128>}]} {
    %get3A = arith.constant 0 : index
    %get3A_0 = arith.constant 0 : index
    %get3A_1 = vector.load %arg1[%get3A, %get3A_0] : memref<4000x100xf32, #tpu.memory_space<vmem>>, vector<4000x100xf32>
    %swap3A = arith.constant 0 : index
    %swap3A_2 = arith.constant 0 : index
    %swap3A_3 = vector.load %arg2[%swap3A, %swap3A_2] : memref<4000x128xf32, #tpu.memory_space<vmem>>, vector<4000x100xf32>
    tpu.vector_store %arg2[%swap3A, %swap3A_2], %get3A_1 {strides = array<i32>} : memref<4000x128xf32, #tpu.memory_space<vmem>>, vector<4000x100xf32>,
    %broadcast_in_dim3A = arith.constant 0.000000e+00 : f32
    %broadcast_in_dim3A_4 = vector.broadcast %broadcast_in_dim3A : f32 to vector<4000x28xf32>
    %swap3A_5 = arith.constant 0 : index
    %swap3A_6 = arith.constant 100 : index
    %swap3A_7 = vector.load %arg2[%swap3A_5, %swap3A_6] : memref<4000x128xf32, #tpu.memory_space<vmem>>, vector<4000x28xf32>
    tpu.vector_store %arg2[%swap3A_5, %swap3A_6], %broadcast_in_dim3A_4 {strides = array<i32>} : memref<4000x128xf32, #tpu.memory_space<vmem>>, vector<4000x28xf32>,
    return
  }
  func.func @transform_0(%arg0: i32) -> (i32, i32) {
    %c0_i32 = arith.constant 0 : i32
    %c0_i32_0 = arith.constant 0 : i32
    return %arg0, %c0_i32 : i32, i32
  }
  func.func @transform_1(%arg0: i32) -> (i32, i32) {
    %c0_i32 = arith.constant 0 : i32
    %c0_i32_0 = arith.constant 0 : i32
    return %arg0, %c0_i32 : i32, i32
  }
}

</mosaic_0001>

<sc_bundles>
// kernel: kernel.4.cloned.1.call-start
scs
__scs_entry_jumppad:
0x0: {  	(pc) =	sbr.rel $0x88, $3  }
0x1: {  	(tag) =	ssettag $0x0;
	lr =	simm.s32 $0x1  }
0x2: {  	[smem:$0x3F9C] =	sst lr;
	_ =	strace $0xD0000000  }
0x3: {  	_ = 	snop  }
0x4: {  	_ = 	snop  }
0x5: {  	_ = 	snop  }
0x6: {  	_ = 	snop  }
0x7: {  	_ = 	snop  }
__scs_overlays_trampoline_lowered:
0x8: {  	[smem:$0x3FAB] =	sst s0  }
0x9: {  	[smem:$0x3FAC] =	sst s1  }
0xa: {  	[smem:$0x3FAD] =	sst s2  }
0xb: {  	[smem:$0x3FAE] =	sst s3  }
0xc: {  	[smem:$0x3FAF] =	sst s4  }
0xd: {  	[smem:$0x3FB0] =	sst s5  }
0xe: {  	[smem:$0x3FB1] =	sst s6  }
0xf: {  	[smem:$0x3FB2] =	sst s7  }
0x10: {  	[smem:$0x3FB3] =	sst s8  }
0x11: {  	[smem:$0x3FB4] =	sst s9;
	s0 =	simm.s32 @!p0 $0x0  }
0x12: {  	s1 =	sld [smem:$0x3F9A];
	s0 =	simm.s32 @p0 $0x1  }
0x13: {  	[smem:$0x3FB5] =	sst s0;
	s0 =	simm.s32 @!p1 $0x0  }
0x14: {  	s2 =	sld [smem:$0x3F99];
	s0 =	simm.s32 @p1 $0x1  }
0x15: {  	[smem:$0x3FB6] =	sst s0;
	s0 =	simm.s32 @!p2 $0x0  }
0x16: {  	s3 =	sld [smem:$0x3FDB];
	s0 =	simm.s32 @p2 $0x1  }
0x17: {  	s4 =	simm.s32 $0x1BF5;
	[smem:$0x3FB8] =	sst s0  }
0x18: {  	s0 =	sld [smem:$0x3F9B];
	_ =	swait.ge [sflag:s4], $0x0  }
0x19: {  	s7 =	sld [smem:$0x3F9C]  }
0x1a: {  	s8 =	sadd.s32 $0xFFFFE003, lr  }
0x1b: {  	s9 =	sadd.s32 $0xFFFFFEF7, lr;
	s5 =	simm.s32 $0xFFFFFFFF;
	p2 =	slt.u32 s8, $0xFFFFF086  }
0x1c: {  	p1 =	slt.u32 s9, $0xF7A;
	s5 =	simm.s32 @!p2 $0x0  }
0x1d: {  	s5 =	simm.s32 @p1 $0x1;
	p0 =	seq.s32 s7, s2  }
0x1e: {  	s7 =	smul.u32 @!p0 $0xF7A, s2;
	p2 =	seq.s32 @!p0 s5, $0x0  }
0x1f: {  	s9 =	smul.u32 $0xF7A, s1;
	s8 =	simm.s32 @!p0 $0x1BF5;
	p2 =	por !p2, p0  }
0x20: {  	[sflag:s8] =	ssyncset.s32 @!p0 $0xFFFFF086;
	s6 =	sadd.s32 @!p0 s3, s7;
	s7 =	simm.s32 @!p0 $0x108  }
0x21: {  	s3 =	sadd.s32 s3, s9;
	s6 =	sadd.s32 @!p0 $0x88, s6;
	s7 =	simm.s32 @p2 $0x1082  }
0x22: {  	[simem:s7], [sflag:s8] =	dma.local @!p0 [hbm:s6], $0xF7A  }
0x23: {  	s9 =	sor.u32 $0xD0000000, s2;
	s6 =	simm.s32 $0x108;
	_ =	swait.ge @!p0 [sflag:s8], $0x0  }
0x24: {  	s3 =	sadd.s32 $0x88, s3;
	s6 =	simm.s32 @!p1 $0x1082;
	[sflag:s4] =	ssyncset.s32 $0xFFFFF086  }
0x25: {  	[simem:s6], [sflag:s4] =	dma.local [hbm:s3], $0xF7A  }
0x26: {  	[smem:$0x3F9C] =	sst s1;
	(tag) =	ssettag s2;
	_ =	strace s9  }
0x27: {  	s1 =	sld [smem:$0x3FAC]  }
0x28: {  	s2 =	sld [smem:$0x3FAD]  }
0x29: {  	s4 =	sld [smem:$0x3FAF]  }
0x2a: {  	p0 =	seq.s32 s5, $0x0;
	s5 =	sld [smem:$0x3FB0]  }
0x2b: {  	s6 =	sld [smem:$0x3FB1]  }
0x2c: {  	s7 =	sld [smem:$0x3FB2]  }
0x2d: {  	s3 =	simm.s32 $0x108;
	s8 =	sld [smem:$0x3FB3]  }
0x2e: {  	s3 =	simm.s32 @!p0 $0x1082;
	s9 =	sld [smem:$0x3FB4]  }
0x2f: {  	lr =	sadd.s32 s0, s3;
	s0 =	sld [smem:$0x3FAB]  }
0x30: {  	s3 =	sld [smem:$0x3FAE]  }
0x31: {  	[smem:$0x3FB7] =	sst s10  }
0x32: {  	s10 =	sld [smem:$0x3FB5];
	_ =	sdelay $0x3  }
0x33: {  	p0 =	seq.s32 s10, $0x1;
	s10 =	sld [smem:$0x3FB7];
	_ =	sdelay $0x3  }
0x34: {  	[smem:$0x3FB7] =	sst s10  }
0x35: {  	s10 =	sld [smem:$0x3FB6];
	_ =	sdelay $0x3  }
0x36: {  	p1 =	seq.s32 s10, $0x1;
	s10 =	sld [smem:$0x3FB7];
	_ =	sdelay $0x3  }
0x37: {  	[smem:$0x3FB7] =	sst s10  }
0x38: {  	s10 =	sld [smem:$0x3FB8]  }
0x39: {  	_ = 	snop;
	(pc) =	sbr.ind lr, $3  }
0x3a: {  	_ = 	snop  }
0x3b: {  	_ = 	snop  }
0x3c: {  	p2 =	seq.s32 s10, $0x1;
	s10 =	sld [smem:$0x3FB7]  }
0x3d: {  	_ =	shalt  }
0x3e: {  	_ =	shalt  }
0x3f: {  	_ =	shalt  }
0x40: {  	_ =	shalt  }
0x41: {  	_ =	shalt  }
0x42: {  	_ =	shalt  }
0x43: {  	_ =	shalt  }
0x44: {  	_ =	shalt  }
0x45: {  	_ =	shalt  }
0x46: {  	_ =	shalt  }
0x47: {  	_ =	shalt  }
0x48: {  	_ =	shalt  }
0x49: {  	_ =	shalt  }
0x4a: {  	_ =	shalt  }
0x4b: {  	_ =	shalt  }
0x4c: {  	_ =	shalt  }
0x4d: {  	_ =	shalt  }
0x4e: {  	_ =	shalt  }
0x4f: {  	_ =	shalt  }
0x50: {  	_ =	shalt  }
0x51: {  	_ =	shalt  }
0x52: {  	_ =	shalt  }
0x53: {  	_ =	shalt  }
0x54: {  	_ =	shalt  }
0x55: {  	_ =	shalt  }
0x56: {  	_ =	shalt  }
0x57: {  	_ =	shalt  }
0x58: {  	_ =	shalt  }
0x59: {  	_ =	shalt  }
0x5a: {  	_ =	shalt  }
0x5b: {  	_ =	shalt  }
0x5c: {  	_ =	shalt  }
0x5d: {  	_ =	shalt  }
0x5e: {  	_ =	shalt  }
0x5f: {  	_ =	shalt  }
0x60: {  	_ =	shalt  }
0x61: {  	_ =	shalt  }
0x62: {  	_ =	shalt  }
0x63: {  	_ =	shalt  }
0x64: {  	_ =	shalt  }
0x65: {  	_ =	shalt  }
0x66: {  	_ =	shalt  }
0x67: {  	_ =	shalt  }
0x68: {  	_ =	shalt  }
0x69: {  	_ =	shalt  }
0x6a: {  	_ =	shalt  }
0x6b: {  	_ =	shalt  }
0x6c: {  	_ =	shalt  }
0x6d: {  	_ =	shalt  }
0x6e: {  	_ =	shalt  }
0x6f: {  	_ =	shalt  }
0x70: {  	_ =	shalt  }
0x71: {  	_ =	shalt  }
0x72: {  	_ =	shalt  }
0x73: {  	_ =	shalt  }
0x74: {  	_ =	shalt  }
0x75: {  	_ =	shalt  }
0x76: {  	_ =	shalt  }
0x77: {  	_ =	shalt  }
0x78: {  	_ =	shalt  }
0x79: {  	_ =	shalt  }
0x7a: {  	_ =	shalt  }
0x7b: {  	_ =	shalt  }
0x7c: {  	_ =	shalt  }
0x7d: {  	_ =	shalt  }
0x7e: {  	_ =	shalt  }
0x7f: {  	_ =	shalt  }
0x80: {  	_ =	shalt  }
0x81: {  	_ =	shalt  }
0x82: {  	_ =	shalt  }
0x83: {  	_ =	shalt  }
0x84: {  	_ =	shalt  }
0x85: {  	_ =	shalt  }
0x86: {  	_ =	shalt  }
0x87: {  	_ =	shalt  }
.Lfunc_end0:
.L_simem_size_0:
called_computation_lowered:
.L_overlay_start_0:
0x88: {  	s2 =	sld [smem:$0x3FD9]  }
0x89: {  	s3 =	sld [smem:$0x3FFE];
	_ =	sdelay $0x1  }
0x8a: {  	s1 =	srdreg.scid  }
0x8b: {  	s0 =	sand.u32 $0x1, s1  }
0x8c: {  	s17 =	sshll.u32 s0, $0xA;
	s2 =	sadd.s32 s3, s2  }
0x8d: {  	s2 =	sadd.s32 s2, s17  }
0x8e: {  	[smem:$0x3FC3] =	sst s2  }
0x8f: {  	_ = 	snop  }
0x90: {  	s2 =	sld [smem:$0x3FD0];
	(tm) =	ssettm $0x1  }
0x91: {  	s18 =	sld [smem:$0x3FFB];
	_ =	sdelay $0x3  }
0x92: {  	_ =	strace s18  }
0x93: {  	s3 =	sld [smem:$0x3FFC];
	_ =	sdelay $0x3  }
0x94: {  	_ =	strace s3  }
0x95: {  	s3 =	sld [smem:$0x3FFD];
	_ =	sdelay $0x3  }
0x96: {  	_ =	strace s3  }
0x97: {  	_ =	strace $0x8FFFFFFF  }
0x98: {  	s19 =	sld [smem:$0x3FDB];
	_ =	sdelay $0x1  }
0x99: {  	s4 =	simm.s32 $_scs_section_size  }
0x9a: {  	s5 =	simm.s32 $_size__tile_overlayer_lowered;
	s6 =	simm.s32 $_tile_overlayer_lowered  }
0x9b: {  	s22 =	simm.s32 $0x1BFF;
	s21 =	sshll.u32 s6, $0x1;
	s3 =	sadd.s32 s4, s19  }
0x9c: {  	s7 =	simm.s32 $0x0;
	s20 =	sshll.u32 s5, $0x1;
	s5 =	sadd.s32 s21, s3  }
0x9d: {  	[timem:s7], [sflag:s22] =	dma.local [hbm:s5], s20  }
0x9e: {  	_ =	swait.ge [sflag:s22], s20  }
0x9f: {  	s4 =	ssub.s32 $0x0, s20;
	[sflag:s22] =	ssyncset.done $0x0  }
0xa0: {  	[sflag:s22] =	ssyncadd.s32 s4;
	_ =	sdelay $0x1  }
0xa1: {  	s23 =	simm.s32 $0x1B8B  }
0xa2: {  	_ =	swait.ge [sflag:s23], $0x1  }
0xa3: {  	[sflag:s23] =	ssyncset.done $0x0  }
0xa4: {  	s25 =	simm.s32 $0x1B8E;
	s24 =	sld [smem:$0x3FFE];
	[sflag:s23] =	ssyncadd.s32 $0xFFFFFFFF  }
0xa5: {  	s26 =	simm.s32 $execute0_lowered;
	[smem:$0x3FD2] =	sst s25  }
0xa6: {  	s5 =	sshll.u32 s26, $0x1;
	_ =	strace $0x80000046;
	[dreg:$0x1] =	wrdreg $0xFFFFFFFF  }
0xa7: {  	s28 =	simm.s32 $_size_execute0_lowered;
	s3 =	sadd.s32 s3, s5;
	[dreg:$0x0] =	wrdreg $0x0  }
0xa8: {  	s5 =	sshll.u32 s28, $0x1;
	[dreg:$0x2] =	wrdreg s3  }
0xa9: {  	[dreg:$0x3] =	wrdreg s5  }
0xaa: {  	[dreg:$0x4] =	wrdreg $0xC0  }
0xab: {  	_ =	task [dreg:s7], $0x5FFFF  }
0xac: {  	[dreg:$0x1] =	wrdreg $0xFFFFFFFF  }
0xad: {  	[dreg:$0x0] =	wrdreg $0x60  }
0xae: {  	[dreg:$0x2] =	wrdreg s24  }
0xaf: {  	[dreg:$0x3] =	wrdreg s2  }
0xb0: {  	[dreg:$0x4] =	wrdreg $0x9  }
0xb1: {  	_ =	task.clear_ibuf [dreg:s7], $0x5FFFF;
	_ =	strace $0x90000046  }
0xb2: {  	s29 =	simm.s32 $0x9;
	_ =	strace $0x80000048  }
0xb3: {  	_ =	swait.ge [sflag:s29], $0x1  }
0xb4: {  	[sflag:s29] =	ssyncadd.s32 $0xFFFFFFFF  }
0xb5: {  	_ =	strace $0x90000048  }
0xb6: {  	_ =	sfence  }
0xb7: {  	s30 =	sld [smem:$0x0];
	_ =	sdelay $0x2  }
0xb8: {  	s31 =	sshll.u32 s1, $0xD;
	s1 =	sshrl.u32 s1, $0x2  }
0xb9: {  	s3 =	sand.u32 $0x4000, s31;
	s1 =	sadd.s32 s1, s30  }
0xba: {  	s0 =	sor.u32 s3, s0;
	s1 =	sshll.u32 s1, $0x11  }
0xbb: {  	s0 =	sor.u32 s1, s0  }
0xbc: {  	s0 =	sadd.s32 $0x8F2B, s0  }
0xbd: {  	[sflag:s0] =	ssyncadd.remote.s32 $0x1  }
0xbe: {  	_ =	sfence.sel $0xFFFF  }
0xbf: {  	[dreg:$0x0] =	wrdreg $0xFFFFFFFF;
	(pc) =	sbr.abs _section_cstart, $3  }
0xc0: {  	[dreg:$0x1] =	wrdreg $0xFFFFFFFF  }
0xc1: {  	_ =	task.clear_ibuf [dreg:s7], $0x2FFFF;
	_ =	strace $0x9FFFFFFF  }
0xc2: {  	(tm) =	ssettm $0x7FFFFFFF  }
0xc3: {  	_ =	shalt  }
tec
execute0_lowered:
.L_overlay_start_1:
0x0: {  	(tag) =	ssettag $0x1  }
0x1: {  	s1 =	srdreg.scid;
	s4 =	rddreg [dreg:$0x0]  }
0x2: {  	s0 =	stileid.u32;
	s7 =	rddreg [dreg:$0x1];
	s2 =	simm.s32 $0x0  }
0x3: {  	s11 =	simm.s32 $0x60;
	s12 =	simm.s32 $0x6400;
	s13 =	simm.s32 $0x68  }
0x4: {  	s14 =	simm.s32 $0x9400;
	s15 =	simm.s32 $0xC800;
	s16 =	simm.s32 $0xF800  }
0x5: {  	s17 =	simm.s32 $0x1;
	s18 =	simm.s32 $0x2;
	s19 =	simm.s32 $0x12D00  }
0x6: {  	s3 =	sand.u32 $0x1, s1;
	s30 =	sshll.u32 s0, $0x1;
	s1 =	rddreg [dreg:$0x2]  }
0x7: {  	s20 =	simm.s32 $0x0;
	[smem:$0x7FF] =	sst s2;
	s6 =	sor.u32 s3, s30  }
0x8: {  	_ =	strace $0x80000047;
	s31 =	ssub.s32 $0x2, s3;
	s5 =	smul.u32 $0xC80, s6  }
0x9: {  	s3 =	sadd.s32 $0xF43A00, s4;
	s9 =	sshrl.u32 s31, $0x1;
	s10 =	sshll.u32 s6, $0x4  }
0xa: {  	s9 =	ssub.s32 s31, s9;
	s7 =	sadd.s32 s7, s10;
	s8 =	sadd.s32 s5, s4  }
0xb: {  	s10 =	simm.s32 $0x3;
	s4 =	sadd.s32 $0x1200, s4;
	s5 =	sadd.s32 $0x1600, s8  }
0xc: {  	v0 =	vlaneseq.u32;
	s6 =	sadd.s32 $0x1A600, s8;
	s8 =	smax.u32 s9, $0x1;
	s9 =	simm.s32 $0x12C00  }
.LBB2_1:
0xd: {  	[tilespmem:s9], [sflag:$0x3] =	stream.linear.gather [hbm4b:s4+s2], $0x100, $0x38;
	[tilespmem:$0x12D80] =	vst v63  }
0xe: {  	_ =	swait.ge [sflag:s10], $0x100  }
0xf: {  	[sflag:s10] =	ssyncset.done $0x0  }
0x10: {  	[sflag:s10] =	ssyncadd.s32 $0xFFFFFF00  }
0x11: {  	[tilespmem:s2], [sflag:$0x3] =	stream.linear.gather [hbm4b:s5+s2], $0x6400, $0x38;
	[tilespmem:$0x12D80] =	vst v63  }
0x12: {  	_ =	swait.ge [sflag:s10], $0x6400  }
0x13: {  	[sflag:s10] =	ssyncset.done $0x0  }
0x14: {  	v1 =	vimm.f32 $0.0e+00;
	s21 =	simm.s32 $0x0;
	[sflag:s10] =	ssyncadd.s32 $0xFFFF9C00  }
.LBB2_2:
0x15: {  	s23 =	smul.u32 $0x640, s21;
	_ =	sdelay $0x1  }
0x16: {  	s22 =	sshllo.u32 s21, $0x1;
	s23 =	sshra.s32 s23, $0x2  }
0x17: {  	[tilespmem:s12], [sflag:$0x1] =	stream.indirect.gather [hbm4b:s3+s11], $0x80, s23, s11, $0xb8;
	[tilespmem:$0x12D80] =	vst v63  }
0x18: {  	s24 =	smul.u32 $0x320, s22;
	s23 =	sadd.s32 $0x60, s23  }
0x19: {  	[tilespmem:s14], [sflag:$0x1] =	stream.indirect.gather [hbm4b:s3+s13], $0x80, s23, s13, $0xb8;
	[tilespmem:$0x12D80] =	vst v63  }
0x1a: {  	s31 =	sshra.s32 s24, $0x2  }
0x1b: {  	[tilespmem:s15], [sflag:$0x2] =	stream.indirect.gather [hbm4b:s3+s11], $0x80, s31, s11, $0xb8;
	[tilespmem:$0x12D80] =	vst v63  }
0x1c: {  	s23 =	sadd.s32 $0x60, s31  }
0x1d: {  	[tilespmem:s16], [sflag:$0x2] =	stream.indirect.gather [hbm4b:s3+s13], $0x80, s23, s13, $0xb8;
	[tilespmem:$0x12D80] =	vst v63  }
0x1e: {  	_ =	swait.ge [sflag:s17], $0x3000  }
0x1f: {  	[sflag:s17] =	ssyncset.done $0x0  }
0x20: {  	[sflag:s17] =	ssyncadd.s32 $0xFFFFD000  }
0x21: {  	_ =	swait.ge [sflag:s17], $0x3400  }
0x22: {  	[sflag:s17] =	ssyncset.done $0x0  }
0x23: {  	s25 =	simm.s32 $0x6500;
	[sflag:s17] =	ssyncadd.s32 $0xFFFFCC00  }
0x24: {  	v2 =	vld [tilespmem:s25+$0x80]  }
0x25: {  	v14 =	vld [tilespmem:s25+$0x90]  }
0x26: {  	v15 =	vld [tilespmem:s25+$0xA0]  }
0x27: {  	v16 =	vld [tilespmem:s25+$0xB0]  }
0x28: {  	v7 =	vld [tilespmem:s25+$0xC0]  }
0x29: {  	v8 =	vld [tilespmem:s25+$0xD0]  }
0x2a: {  	v3 =	vld [tilespmem:s25+$0x0]  }
0x2b: {  	v4 =	vld [tilespmem:s25+$0x10]  }
0x2c: {  	v5 =	vld [tilespmem:s25+$0x20]  }
0x2d: {  	v6 =	vld [tilespmem:s25+$0x30]  }
0x2e: {  	v17 =	vld [tilespmem:s25+$0x40]  }
0x2f: {  	v18 =	vld [tilespmem:s25+$0x50]  }
0x30: {  	v9 =	vld [tilespmem:s25+$0xFFFFFF80]  }
0x31: {  	v10 =	vld [tilespmem:s25+$0xFFFFFF90]  }
0x32: {  	v11 =	vld [tilespmem:s25+$0xFFFFFFA0]  }
0x33: {  	v12 =	vld [tilespmem:s25+$0xFFFFFFB0]  }
0x34: {  	v13 =	vld [tilespmem:s25+$0xFFFFFF00]  }
0x35: {  	v26 =	vld [tilespmem:s25+$0xFFFFFFC0]  }
0x36: {  	v19 =	vld [tilespmem:s25+$0xFFFFFF10]  }
0x37: {  	v21 =	vld [tilespmem:s25+$0xFFFFFF30]  }
0x38: {  	v20 =	vld [tilespmem:s25+$0xFFFFFF20]  }
0x39: {  	v25 =	vimm.f32 $-Inf;
	v29 =	vld [tilespmem:s25+$0xFFFFFFD0]  }
0x3a: {  	v31 =	vld [tilespmem:s25+$0xFFFFFF40];
	v13 =	vmax.f32 v25, v13  }
0x3b: {  	v27 =	vimm.f32 $-Inf;
	v32 =	vld [tilespmem:s25+$0xFFFFFF50];
	v9 =	vmax.f32 v13, v9  }
0x3c: {  	v28 =	vimm.f32 $-Inf;
	v33 =	vld [tilespmem:s25+$0xFFFFFF54];
	v13 =	vmax.f32 v25, v21;
	v3 =	vmax.f32 v9, v3  }
0x3d: {  	v36 =	vld [tilespmem:s25+$0xFFFFFFD4];
	v9 =	vmax.f32 v25, v20;
	v2 =	vmax.f32 v3, v2;
	v3 =	vmax.f32 v25, v19  }
0x3e: {  	v34 =	vld [tilespmem:s25+$0x54];
	v9 =	vmax.f32 v9, v11;
	v3 =	vmax.f32 v3, v10;
	v10 =	vmax.f32 v13, v12  }
0x3f: {  	s24 =	simm.s32 $0x0;
	s23 =	sshll.u32 s21, $0x1;
	v35 =	vld [tilespmem:s25+$0xD4];
	s25 =	simm.s32 $0x6700;
	v37 =	vmax.f32 v9, v5;
	v22 =	vmax.f32 v3, v4;
	v38 =	vmax.f32 v10, v6  }
.LBB2_3:
0x40: {  	v3 =	vld [tilespmem:s25+$0x80];
	v4 =	vmax.f32 v22, v14;
	v5 =	vmax.f32 v37, v15;
	v6 =	vmax.f32 v38, v16  }
0x41: {  	v9 =	vmax.f32 v25, v31;
	v10 =	vmax.f32 v27, v32;
	v14 =	vld [tilespmem:s25+$0x90];
	v11 =	vmax.f32 v28, v33  }
0x42: {  	v9 =	vmax.f32 v9, v26;
	v10 =	vmax.f32 v10, v29;
	v15 =	vld [tilespmem:s25+$0xA0];
	v11 =	vmax.f32 v11, v36  }
0x43: {  	v9 =	vmax.f32 v9, v17;
	v10 =	vmax.f32 v10, v18;
	v16 =	vld [tilespmem:s25+$0xB0];
	v11 =	vmax.f32 v11, v34  }
0x44: {  	v25 =	vmax.f32 v9, v7;
	v27 =	vmax.f32 v10, v8;
	v7 =	vld [tilespmem:s25+$0xC0];
	v28 =	vmax.f32 v11, v35  }
0x45: {  	v8 =	vld [tilespmem:s25+$0xD0]  }
0x46: {  	v9 =	vld [tilespmem:s25+$0x0]  }
0x47: {  	v10 =	vld [tilespmem:s25+$0x10]  }
0x48: {  	v11 =	vld [tilespmem:s25+$0x20]  }
0x49: {  	v12 =	vld [tilespmem:s25+$0x30]  }
0x4a: {  	v17 =	vld [tilespmem:s25+$0x40]  }
0x4b: {  	v18 =	vld [tilespmem:s25+$0x50]  }
0x4c: {  	v13 =	vld [tilespmem:s25+$0xFFFFFF80]  }
0x4d: {  	v19 =	vld [tilespmem:s25+$0xFFFFFF90]  }
0x4e: {  	v20 =	vld [tilespmem:s25+$0xFFFFFFA0]  }
0x4f: {  	v21 =	vld [tilespmem:s25+$0xFFFFFFB0]  }
0x50: {  	v22 =	vld [tilespmem:s25+$0xFFFFFF00]  }
0x51: {  	v26 =	vld [tilespmem:s25+$0xFFFFFFC0]  }
0x52: {  	v23 =	vld [tilespmem:s25+$0xFFFFFF10]  }
0x53: {  	v24 =	vld [tilespmem:s25+$0xFFFFFF20]  }
0x54: {  	v30 =	vld [tilespmem:s25+$0xFFFFFF30]  }
0x55: {  	s24 =	sadd.s32 $0x4, s24;
	v2 =	vmax.f32 v2, v22;
	v29 =	vld [tilespmem:s25+$0xFFFFFFD0]  }
0x56: {  	p0 =	slt.u32 s24, $0xC4;
	v31 =	vld [tilespmem:s25+$0xFFFFFF40];
	v2 =	vmax.f32 v2, v13  }
.Ltmp0:
0x57: {  	v32 =	vld [tilespmem:s25+$0xFFFFFF50];
	v2 =	vmax.f32 v2, v9;
	(pc) =	sbr.rel @p0 .LBB2_3-.Ltmp0, $4  }
0x58: {  	v33 =	vld [tilespmem:s25+$0xFFFFFF54];
	v2 =	vmax.f32 v2, v3  }
0x59: {  	v3 =	vmax.f32 v4, v23;
	v4 =	vmax.f32 v5, v24;
	v5 =	vmax.f32 v6, v30;
	v36 =	vld [tilespmem:s25+$0xFFFFFFD4]  }
0x5a: {  	v3 =	vmax.f32 v3, v19;
	v4 =	vmax.f32 v4, v20;
	v5 =	vmax.f32 v5, v21;
	v34 =	vld [tilespmem:s25+$0x54]  }
0x5b: {  	v22 =	vmax.f32 v3, v10;
	v37 =	vmax.f32 v4, v11;
	v38 =	vmax.f32 v5, v12;
	v35 =	vld [tilespmem:s25+$0xD4];
	s25 =	sadd.s32 $0x200, s25  }
0x5c: {  	v12 =	vld [tilespmem:$0x12C00]  }
0x5d: {  	v10 =	vld [tilespmem:$0x12C10]  }
0x5e: {  	v9 =	vld [tilespmem:$0x12C20]  }
0x5f: {  	v6 =	vld [tilespmem:$0x12C30]  }
0x60: {  	v5 =	vld [tilespmem:$0x12C40]  }
0x61: {  	v4 =	vld [tilespmem:$0x12C50]  }
0x62: {  	v3 =	vld [tilespmem:$0x12C60];
	_ =	swait.ge [sflag:s18], $0x3000  }
0x63: {  	[sflag:s18] =	ssyncset.done $0x0  }
0x64: {  	[sflag:s18] =	ssyncadd.s32 $0xFFFFD000  }
0x65: {  	_ =	swait.ge [sflag:s18], $0x3400  }
0x66: {  	[sflag:s18] =	ssyncset.done $0x0  }
0x67: {  	s25 =	simm.s32 $0xC900;
	[sflag:s18] =	ssyncadd.s32 $0xFFFFCC00  }
0x68: {  	v39 =	vld [tilespmem:s25+$0x80]  }
0x69: {  	v20 =	vld [tilespmem:s25+$0x90]  }
0x6a: {  	v23 =	vld [tilespmem:s25+$0xA0]  }
0x6b: {  	v24 =	vld [tilespmem:s25+$0xB0]  }
0x6c: {  	v13 =	vld [tilespmem:s25+$0xC0]  }
0x6d: {  	v11 =	vld [tilespmem:s25+$0xD0]  }
0x6e: {  	v40 =	vld [tilespmem:s25+$0x0]  }
0x6f: {  	v41 =	vld [tilespmem:s25+$0x10]  }
0x70: {  	v42 =	vld [tilespmem:s25+$0x20]  }
0x71: {  	v43 =	vld [tilespmem:s25+$0x30]  }
0x72: {  	v21 =	vld [tilespmem:s25+$0x40]  }
0x73: {  	v19 =	vld [tilespmem:s25+$0x50]  }
0x74: {  	v44 =	vld [tilespmem:s25+$0xFFFFFF80]  }
0x75: {  	v45 =	vld [tilespmem:s25+$0xFFFFFF90]  }
0x76: {  	v46 =	vld [tilespmem:s25+$0xFFFFFFA0]  }
0x77: {  	v47 =	vld [tilespmem:s25+$0xFFFFFFB0]  }
0x78: {  	v48 =	vld [tilespmem:s25+$0xFFFFFF00]  }
0x79: {  	v22 =	vmax.f32 v22, v14;
	v14 =	vmax.f32 v38, v16;
	v16 =	vmax.f32 v25, v31;
	v63 =	vld [tilespmem:s25+$0xFFFFFF10]  }
0x7a: {  	v16 =	vmax.f32 v16, v26;
	v26 =	vld [tilespmem:s25+$0xFFFFFF20]  }
0x7b: {  	v15 =	vmax.f32 v37, v15;
	v25 =	vmax.f32 v27, v32;
	v27 =	vmax.f32 v28, v33;
	v30 =	vld [tilespmem:s25+$0xFFFFFFC0]  }
0x7c: {  	v28 =	vmax.f32 v25, v29;
	v25 =	vimm.f32 $-Inf;
	v27 =	vmax.f32 v27, v36;
	v29 =	vld [tilespmem:s25+$0xFFFFFF30]  }
0x7d: {  	v16 =	vmax.f32 v16, v17;
	v17 =	vmax.f32 v28, v18;
	v27 =	vmax.f32 v27, v34;
	v18 =	vld [tilespmem:s25+$0xFFFFFFD0]  }
0x7e: {  	v16 =	vmax.f32 v16, v7;
	v8 =	vmax.f32 v17, v8;
	v7 =	vmax.f32 v27, v35;
	v31 =	vld [tilespmem:s25+$0xFFFFFF40]  }
0x7f: {  	v33 =	vld [tilespmem:s25+$0xFFFFFF50];
	v28 =	vmax.f32 v25, v48;
	v27 =	vmax.f32 v25, v63;
	v26 =	vmax.f32 v25, v26  }
0x80: {  	v34 =	vld [tilespmem:s25+$0xFFFFFF54];
	v28 =	vmax.f32 v28, v44;
	v27 =	vmax.f32 v27, v45;
	v26 =	vmax.f32 v26, v46  }
0x81: {  	v32 =	vld [tilespmem:s25+$0xFFFFFFD4];
	v17 =	vmax.f32 v28, v40;
	v28 =	vmax.f32 v25, v29;
	v35 =	vmax.f32 v27, v41  }
0x82: {  	v36 =	vmax.f32 v26, v42;
	v27 =	vimm.f32 $-Inf;
	v29 =	vmax.f32 v28, v47;
	v28 =	vld [tilespmem:s25+$0x54]  }
0x83: {  	s24 =	simm.s32 $0x0;
	v26 =	vimm.f32 $-Inf;
	v17 =	vmax.f32 v17, v39;
	v37 =	vmax.f32 v29, v43;
	v29 =	vld [tilespmem:s25+$0xD4];
	s25 =	simm.s32 $0xCB00  }
.LBB2_5:
0x84: {  	v38 =	vld [tilespmem:s25+$0x80];
	v35 =	vmax.f32 v35, v20;
	v36 =	vmax.f32 v36, v23;
	v37 =	vmax.f32 v37, v24  }
0x85: {  	v24 =	vmax.f32 v25, v31;
	v25 =	vmax.f32 v27, v33;
	v20 =	vld [tilespmem:s25+$0x90];
	v26 =	vmax.f32 v26, v34  }
0x86: {  	v27 =	vmax.f32 v24, v30;
	v18 =	vmax.f32 v25, v18;
	v23 =	vld [tilespmem:s25+$0xA0];
	v25 =	vmax.f32 v26, v32  }
0x87: {  	v21 =	vmax.f32 v27, v21;
	v18 =	vmax.f32 v18, v19;
	v24 =	vld [tilespmem:s25+$0xB0];
	v19 =	vmax.f32 v25, v28  }
0x88: {  	v25 =	vmax.f32 v21, v13;
	v27 =	vmax.f32 v18, v11;
	v13 =	vld [tilespmem:s25+$0xC0];
	v26 =	vmax.f32 v19, v29  }
0x89: {  	v11 =	vld [tilespmem:s25+$0xD0]  }
0x8a: {  	v28 =	vld [tilespmem:s25+$0x0]  }
0x8b: {  	v29 =	vld [tilespmem:s25+$0x10]  }
0x8c: {  	v39 =	vld [tilespmem:s25+$0x20]  }
0x8d: {  	v40 =	vld [tilespmem:s25+$0x30]  }
0x8e: {  	v21 =	vld [tilespmem:s25+$0x40]  }
0x8f: {  	v19 =	vld [tilespmem:s25+$0x50]  }
0x90: {  	v32 =	vld [tilespmem:s25+$0xFFFFFF80]  }
0x91: {  	v41 =	vld [tilespmem:s25+$0xFFFFFF90]  }
0x92: {  	v42 =	vld [tilespmem:s25+$0xFFFFFFA0]  }
0x93: {  	v43 =	vld [tilespmem:s25+$0xFFFFFFB0]  }
0x94: {  	v18 =	vld [tilespmem:s25+$0xFFFFFF00]  }
0x95: {  	v30 =	vld [tilespmem:s25+$0xFFFFFFC0]  }
0x96: {  	v44 =	vld [tilespmem:s25+$0xFFFFFF10]  }
0x97: {  	v45 =	vld [tilespmem:s25+$0xFFFFFF20]  }
0x98: {  	v46 =	vld [tilespmem:s25+$0xFFFFFF30]  }
0x99: {  	s24 =	sadd.s32 $0x4, s24;
	v17 =	vmax.f32 v17, v18;
	v18 =	vld [tilespmem:s25+$0xFFFFFFD0]  }
0x9a: {  	p0 =	slt.u32 s24, $0xC4;
	v31 =	vld [tilespmem:s25+$0xFFFFFF40];
	v17 =	vmax.f32 v17, v32  }
.Ltmp1:
0x9b: {  	v33 =	vld [tilespmem:s25+$0xFFFFFF50];
	v17 =	vmax.f32 v17, v28;
	(pc) =	sbr.rel @p0 .LBB2_5-.Ltmp1, $4  }
0x9c: {  	v34 =	vld [tilespmem:s25+$0xFFFFFF54];
	v17 =	vmax.f32 v17, v38  }
0x9d: {  	v28 =	vmax.f32 v35, v44;
	v35 =	vmax.f32 v36, v45;
	v36 =	vmax.f32 v37, v46;
	v32 =	vld [tilespmem:s25+$0xFFFFFFD4]  }
0x9e: {  	v37 =	vmax.f32 v28, v41;
	v38 =	vmax.f32 v35, v42;
	v41 =	vmax.f32 v36, v43;
	v28 =	vld [tilespmem:s25+$0x54]  }
0x9f: {  	v35 =	vmax.f32 v37, v29;
	v36 =	vmax.f32 v38, v39;
	v37 =	vmax.f32 v41, v40;
	v29 =	vld [tilespmem:s25+$0xD4];
	s25 =	sadd.s32 $0x200, s25  }
0xa0: {  	v20 =	vmax.f32 v35, v20;
	v23 =	vmax.f32 v36, v23;
	v2 =	vmul.f32 v12, v2  }
0xa1: {  	v24 =	vmax.f32 v37, v24;
	v25 =	vmax.f32 v25, v31;
	v46 =	vmul.f32 v17, v12  }
0xa2: {  	v47 =	vmax.f32 v27, v33;
	v22 =	vmul.f32 v10, v22;
	v2 =	vadd.f32 $0.0e+00, v2  }
0xa3: {  	v15 =	vmul.f32 v9, v15;
	v48 =	vmul.f32 v20, v10;
	v12 =	vadd.f32 $0.0e+00, v46  }
0xa4: {  	v14 =	vmul.f32 v6, v14;
	v55 =	vmul.f32 v5, v16;
	v2 =	vadd.f32 v22, v2  }
0xa5: {  	v8 =	vmul.f32 v4, v8;
	v50 =	vmul.f32 v23, v9;
	v10 =	vadd.f32 v48, v12  }
0xa6: {  	v26 =	vmax.f32 v26, v34;
	v49 =	vmax.f32 v25, v30;
	v2 =	vadd.f32 v15, v2  }
0xa7: {  	v53 =	vmul.f32 v24, v6;
	v52 =	vmax.f32 v49, v21;
	v9 =	vadd.f32 v50, v10  }
0xa8: {  	v17 =	vmax.f32 v47, v18;
	v54 =	vmax.f32 v52, v13;
	v2 =	vadd.f32 v14, v2  }
0xa9: {  	v56 =	vmax.f32 v17, v19;
	v57 =	vmul.f32 v54, v5;
	v6 =	vadd.f32 v53, v9  }
0xaa: {  	v51 =	vmax.f32 v26, v32;
	v58 =	vmax.f32 v56, v11;
	v2 =	vadd.f32 v55, v2  }
0xab: {  	v59 =	vmax.f32 v51, v28;
	v60 =	vmul.f32 v58, v4;
	v5 =	vadd.f32 v57, v6  }
0xac: {  	v7 =	vmul.f32 v3, v7;
	v61 =	vmax.f32 v59, v29;
	v2 =	vadd.f32 v8, v2  }
0xad: {  	v3 =	vmul.f32 v61, v3;
	v4 =	vadd.f32 v60, v5  }
0xae: {  	v2 =	vadd.f32 v7, v2  }
0xaf: {  	v3 =	vadd.f32 v3, v4  }
0xb0: {  	(xrf2) =	vadd.scan.msk.f32 $0xffff, v2  }
0xb1: {  	(xrf2) =	vadd.scan.msk.f32 $0xffff, v3;
	_ =	sdelay $0x5  }
0xb2: {  	s22 =	sand.u32 $0xF, s22  }
0xb3: {  	p0 =	sne.s32 s22, $0xF  }
0xb4: {  	v63 =	vmov s22;
	s22 =	sshll.u32 @!p0 s21, $0x1;
	s21 =	sadd.s32 $0x1, s21  }
0xb5: {  	s23 =	sand.u32 $0xE, s23;
	p1 =	sne.s32 s21, $0x40;
	v2, _, _ =	vpop (xrf2)  }
.Ltmp2:
0xb6: {  	v62 =	vmov s23;
	v3, _, _ =	vpop (xrf2);
	v2 =	vbroadcast v2, $0xF;
	(pc) =	sbr.rel @p1 .LBB2_2-.Ltmp2, $4  }
0xb7: {  	vm0 =	veq.s32 v62, v0;
	v3 =	vbroadcast v3, $0xF  }
0xb8: {  	vm15 =	veq.s32 v63, v0;
	v1 =	vsel vm0, v2, v1  }
0xb9: {  	s22 =	sand.u32 @!p0 $0x70, s22;
	v1 =	vsel vm15, v3, v1  }
0xba: {  	[tilespmem:s22+$0x12D00] =	vst @!p0 v1  }
0xbb: {  	s21 =	simm.s32 $0x0  }
0xbc: {  	[tilespmem:s21], [sflag:$0x3] =	stream.linear.gather [hbm4b:s6+s21], $0x6400, $0x38;
	[tilespmem:$0x12D80] =	vst v63  }
0xbd: {  	_ =	swait.ge [sflag:s10], $0x6400  }
0xbe: {  	[sflag:s10] =	ssyncset.done $0x0  }
0xbf: {  	v1 =	vimm.f32 $0.0e+00;
	[sflag:s10] =	ssyncadd.s32 $0xFFFF9C00  }
.LBB2_8:
0xc0: {  	s23 =	smul.u32 $0x640, s21;
	_ =	sdelay $0x1  }
0xc1: {  	s22 =	sshllo.u32 s21, $0x1;
	s23 =	sshra.s32 s23, $0x2  }
0xc2: {  	[tilespmem:s12], [sflag:$0x1] =	stream.indirect.gather [hbm4b:s3+s11], $0x80, s23, s11, $0xb8;
	[tilespmem:$0x12D80] =	vst v63  }
0xc3: {  	s24 =	smul.u32 $0x320, s22;
	s23 =	sadd.s32 $0x60, s23  }
0xc4: {  	[tilespmem:s14], [sflag:$0x1] =	stream.indirect.gather [hbm4b:s3+s13], $0x80, s23, s13, $0xb8;
	[tilespmem:$0x12D80] =	vst v63  }
0xc5: {  	s31 =	sshra.s32 s24, $0x2  }
0xc6: {  	[tilespmem:s15], [sflag:$0x2] =	stream.indirect.gather [hbm4b:s3+s11], $0x80, s31, s11, $0xb8;
	[tilespmem:$0x12D80] =	vst v63  }
0xc7: {  	s23 =	sadd.s32 $0x60, s31  }
0xc8: {  	[tilespmem:s16], [sflag:$0x2] =	stream.indirect.gather [hbm4b:s3+s13], $0x80, s23, s13, $0xb8;
	[tilespmem:$0x12D80] =	vst v63  }
0xc9: {  	_ =	swait.ge [sflag:s17], $0x3000  }
0xca: {  	[sflag:s17] =	ssyncset.done $0x0  }
0xcb: {  	[sflag:s17] =	ssyncadd.s32 $0xFFFFD000  }
0xcc: {  	_ =	swait.ge [sflag:s17], $0x3400  }
0xcd: {  	[sflag:s17] =	ssyncset.done $0x0  }
0xce: {  	s25 =	simm.s32 $0x6500;
	[sflag:s17] =	ssyncadd.s32 $0xFFFFCC00  }
0xcf: {  	v2 =	vld [tilespmem:s25+$0x80]  }
0xd0: {  	v14 =	vld [tilespmem:s25+$0x90]  }
0xd1: {  	v15 =	vld [tilespmem:s25+$0xA0]  }
0xd2: {  	v16 =	vld [tilespmem:s25+$0xB0]  }
0xd3: {  	v7 =	vld [tilespmem:s25+$0xC0]  }
0xd4: {  	v8 =	vld [tilespmem:s25+$0xD0]  }
0xd5: {  	v3 =	vld [tilespmem:s25+$0x0]  }
0xd6: {  	v4 =	vld [tilespmem:s25+$0x10]  }
0xd7: {  	v5 =	vld [tilespmem:s25+$0x20]  }
0xd8: {  	v6 =	vld [tilespmem:s25+$0x30]  }
0xd9: {  	v17 =	vld [tilespmem:s25+$0x40]  }
0xda: {  	v18 =	vld [tilespmem:s25+$0x50]  }
0xdb: {  	v9 =	vld [tilespmem:s25+$0xFFFFFF80]  }
0xdc: {  	v10 =	vld [tilespmem:s25+$0xFFFFFF90]  }
0xdd: {  	v11 =	vld [tilespmem:s25+$0xFFFFFFA0]  }
0xde: {  	v12 =	vld [tilespmem:s25+$0xFFFFFFB0]  }
0xdf: {  	v13 =	vld [tilespmem:s25+$0xFFFFFF00]  }
0xe0: {  	v26 =	vld [tilespmem:s25+$0xFFFFFFC0]  }
0xe1: {  	v19 =	vld [tilespmem:s25+$0xFFFFFF10]  }
0xe2: {  	v21 =	vld [tilespmem:s25+$0xFFFFFF30]  }
0xe3: {  	v20 =	vld [tilespmem:s25+$0xFFFFFF20]  }
0xe4: {  	v25 =	vimm.f32 $-Inf;
	v29 =	vld [tilespmem:s25+$0xFFFFFFD0]  }
0xe5: {  	v31 =	vld [tilespmem:s25+$0xFFFFFF40];
	v13 =	vmax.f32 v25, v13  }
0xe6: {  	v27 =	vimm.f32 $-Inf;
	v32 =	vld [tilespmem:s25+$0xFFFFFF50];
	v9 =	vmax.f32 v13, v9  }
0xe7: {  	v28 =	vimm.f32 $-Inf;
	v33 =	vld [tilespmem:s25+$0xFFFFFF54];
	v13 =	vmax.f32 v25, v21;
	v3 =	vmax.f32 v9, v3  }
0xe8: {  	v36 =	vld [tilespmem:s25+$0xFFFFFFD4];
	v9 =	vmax.f32 v25, v20;
	v2 =	vmax.f32 v3, v2;
	v3 =	vmax.f32 v25, v19  }
0xe9: {  	v34 =	vld [tilespmem:s25+$0x54];
	v9 =	vmax.f32 v9, v11;
	v3 =	vmax.f32 v3, v10;
	v10 =	vmax.f32 v13, v12  }
0xea: {  	s24 =	simm.s32 $0x0;
	s23 =	sshll.u32 s21, $0x1;
	v35 =	vld [tilespmem:s25+$0xD4];
	s25 =	simm.s32 $0x6700;
	v37 =	vmax.f32 v9, v5;
	v22 =	vmax.f32 v3, v4;
	v38 =	vmax.f32 v10, v6  }
.LBB2_9:
0xeb: {  	v3 =	vld [tilespmem:s25+$0x80];
	v4 =	vmax.f32 v22, v14;
	v5 =	vmax.f32 v37, v15;
	v6 =	vmax.f32 v38, v16  }
0xec: {  	v9 =	vmax.f32 v25, v31;
	v10 =	vmax.f32 v27, v32;
	v14 =	vld [tilespmem:s25+$0x90];
	v11 =	vmax.f32 v28, v33  }
0xed: {  	v9 =	vmax.f32 v9, v26;
	v10 =	vmax.f32 v10, v29;
	v15 =	vld [tilespmem:s25+$0xA0];
	v11 =	vmax.f32 v11, v36  }
0xee: {  	v9 =	vmax.f32 v9, v17;
	v10 =	vmax.f32 v10, v18;
	v16 =	vld [tilespmem:s25+$0xB0];
	v11 =	vmax.f32 v11, v34  }
0xef: {  	v25 =	vmax.f32 v9, v7;
	v27 =	vmax.f32 v10, v8;
	v7 =	vld [tilespmem:s25+$0xC0];
	v28 =	vmax.f32 v11, v35  }
0xf0: {  	v8 =	vld [tilespmem:s25+$0xD0]  }
0xf1: {  	v9 =	vld [tilespmem:s25+$0x0]  }
0xf2: {  	v10 =	vld [tilespmem:s25+$0x10]  }
0xf3: {  	v11 =	vld [tilespmem:s25+$0x20]  }
0xf4: {  	v12 =	vld [tilespmem:s25+$0x30]  }
0xf5: {  	v17 =	vld [tilespmem:s25+$0x40]  }
0xf6: {  	v18 =	vld [tilespmem:s25+$0x50]  }
0xf7: {  	v13 =	vld [tilespmem:s25+$0xFFFFFF80]  }
0xf8: {  	v19 =	vld [tilespmem:s25+$0xFFFFFF90]  }
0xf9: {  	v20 =	vld [tilespmem:s25+$0xFFFFFFA0]  }
0xfa: {  	v21 =	vld [tilespmem:s25+$0xFFFFFFB0]  }
0xfb: {  	v22 =	vld [tilespmem:s25+$0xFFFFFF00]  }
0xfc: {  	v26 =	vld [tilespmem:s25+$0xFFFFFFC0]  }
0xfd: {  	v23 =	vld [tilespmem:s25+$0xFFFFFF10]  }
0xfe: {  	v24 =	vld [tilespmem:s25+$0xFFFFFF20]  }
0xff: {  	v30 =	vld [tilespmem:s25+$0xFFFFFF30]  }
0x100: {  	s24 =	sadd.s32 $0x4, s24;
	v2 =	vmax.f32 v2, v22;
	v29 =	vld [tilespmem:s25+$0xFFFFFFD0]  }
0x101: {  	p0 =	slt.u32 s24, $0xC4;
	v31 =	vld [tilespmem:s25+$0xFFFFFF40];
	v2 =	vmax.f32 v2, v13  }
.Ltmp3:
0x102: {  	v32 =	vld [tilespmem:s25+$0xFFFFFF50];
	v2 =	vmax.f32 v2, v9;
	(pc) =	sbr.rel @p0 .LBB2_9-.Ltmp3, $4  }
0x103: {  	v33 =	vld [tilespmem:s25+$0xFFFFFF54];
	v2 =	vmax.f32 v2, v3  }
0x104: {  	v3 =	vmax.f32 v4, v23;
	v4 =	vmax.f32 v5, v24;
	v5 =	vmax.f32 v6, v30;
	v36 =	vld [tilespmem:s25+$0xFFFFFFD4]  }
0x105: {  	v3 =	vmax.f32 v3, v19;
	v4 =	vmax.f32 v4, v20;
	v5 =	vmax.f32 v5, v21;
	v34 =	vld [tilespmem:s25+$0x54]  }
0x106: {  	v22 =	vmax.f32 v3, v10;
	v37 =	vmax.f32 v4, v11;
	v38 =	vmax.f32 v5, v12;
	v35 =	vld [tilespmem:s25+$0xD4];
	s25 =	sadd.s32 $0x200, s25  }
0x107: {  	v12 =	vld [tilespmem:$0x12C70]  }
0x108: {  	v10 =	vld [tilespmem:$0x12C80]  }
0x109: {  	v9 =	vld [tilespmem:$0x12C90]  }
0x10a: {  	v6 =	vld [tilespmem:$0x12CA0]  }
0x10b: {  	v5 =	vld [tilespmem:$0x12CB0]  }
0x10c: {  	v4 =	vld [tilespmem:$0x12CC0]  }
0x10d: {  	v3 =	vld [tilespmem:$0x12CD0];
	_ =	swait.ge [sflag:s18], $0x3000  }
0x10e: {  	[sflag:s18] =	ssyncset.done $0x0  }
0x10f: {  	[sflag:s18] =	ssyncadd.s32 $0xFFFFD000  }
0x110: {  	_ =	swait.ge [sflag:s18], $0x3400  }
0x111: {  	[sflag:s18] =	ssyncset.done $0x0  }
0x112: {  	s25 =	simm.s32 $0xC900;
	[sflag:s18] =	ssyncadd.s32 $0xFFFFCC00  }
0x113: {  	v39 =	vld [tilespmem:s25+$0x80]  }
0x114: {  	v20 =	vld [tilespmem:s25+$0x90]  }
0x115: {  	v23 =	vld [tilespmem:s25+$0xA0]  }
0x116: {  	v24 =	vld [tilespmem:s25+$0xB0]  }
0x117: {  	v13 =	vld [tilespmem:s25+$0xC0]  }
0x118: {  	v11 =	vld [tilespmem:s25+$0xD0]  }
0x119: {  	v40 =	vld [tilespmem:s25+$0x0]  }
0x11a: {  	v41 =	vld [tilespmem:s25+$0x10]  }
0x11b: {  	v42 =	vld [tilespmem:s25+$0x20]  }
0x11c: {  	v43 =	vld [tilespmem:s25+$0x30]  }
0x11d: {  	v21 =	vld [tilespmem:s25+$0x40]  }
0x11e: {  	v19 =	vld [tilespmem:s25+$0x50]  }
0x11f: {  	v44 =	vld [tilespmem:s25+$0xFFFFFF80]  }
0x120: {  	v45 =	vld [tilespmem:s25+$0xFFFFFF90]  }
0x121: {  	v46 =	vld [tilespmem:s25+$0xFFFFFFA0]  }
0x122: {  	v47 =	vld [tilespmem:s25+$0xFFFFFFB0]  }
0x123: {  	v48 =	vld [tilespmem:s25+$0xFFFFFF00]  }
0x124: {  	v22 =	vmax.f32 v22, v14;
	v14 =	vmax.f32 v38, v16;
	v16 =	vmax.f32 v25, v31;
	v63 =	vld [tilespmem:s25+$0xFFFFFF10]  }
0x125: {  	v16 =	vmax.f32 v16, v26;
	v26 =	vld [tilespmem:s25+$0xFFFFFF20]  }
0x126: {  	v15 =	vmax.f32 v37, v15;
	v25 =	vmax.f32 v27, v32;
	v27 =	vmax.f32 v28, v33;
	v30 =	vld [tilespmem:s25+$0xFFFFFFC0]  }
0x127: {  	v28 =	vmax.f32 v25, v29;
	v25 =	vimm.f32 $-Inf;
	v27 =	vmax.f32 v27, v36;
	v29 =	vld [tilespmem:s25+$0xFFFFFF30]  }
0x128: {  	v16 =	vmax.f32 v16, v17;
	v17 =	vmax.f32 v28, v18;
	v27 =	vmax.f32 v27, v34;
	v18 =	vld [tilespmem:s25+$0xFFFFFFD0]  }
0x129: {  	v16 =	vmax.f32 v16, v7;
	v8 =	vmax.f32 v17, v8;
	v7 =	vmax.f32 v27, v35;
	v31 =	vld [tilespmem:s25+$0xFFFFFF40]  }
0x12a: {  	v33 =	vld [tilespmem:s25+$0xFFFFFF50];
	v28 =	vmax.f32 v25, v48;
	v27 =	vmax.f32 v25, v63;
	v26 =	vmax.f32 v25, v26  }
0x12b: {  	v34 =	vld [tilespmem:s25+$0xFFFFFF54];
	v28 =	vmax.f32 v28, v44;
	v27 =	vmax.f32 v27, v45;
	v26 =	vmax.f32 v26, v46  }
0x12c: {  	v32 =	vld [tilespmem:s25+$0xFFFFFFD4];
	v17 =	vmax.f32 v28, v40;
	v28 =	vmax.f32 v25, v29;
	v35 =	vmax.f32 v27, v41  }
0x12d: {  	v36 =	vmax.f32 v26, v42;
	v27 =	vimm.f32 $-Inf;
	v29 =	vmax.f32 v28, v47;
	v28 =	vld [tilespmem:s25+$0x54]  }
0x12e: {  	s24 =	simm.s32 $0x0;
	v26 =	vimm.f32 $-Inf;
	v17 =	vmax.f32 v17, v39;
	v37 =	vmax.f32 v29, v43;
	v29 =	vld [tilespmem:s25+$0xD4];
	s25 =	simm.s32 $0xCB00  }
.LBB2_11:
0x12f: {  	v38 =	vld [tilespmem:s25+$0x80];
	v35 =	vmax.f32 v35, v20;
	v36 =	vmax.f32 v36, v23;
	v37 =	vmax.f32 v37, v24  }
0x130: {  	v24 =	vmax.f32 v25, v31;
	v25 =	vmax.f32 v27, v33;
	v20 =	vld [tilespmem:s25+$0x90];
	v26 =	vmax.f32 v26, v34  }
0x131: {  	v27 =	vmax.f32 v24, v30;
	v18 =	vmax.f32 v25, v18;
	v23 =	vld [tilespmem:s25+$0xA0];
	v25 =	vmax.f32 v26, v32  }
0x132: {  	v21 =	vmax.f32 v27, v21;
	v18 =	vmax.f32 v18, v19;
	v24 =	vld [tilespmem:s25+$0xB0];
	v19 =	vmax.f32 v25, v28  }
0x133: {  	v25 =	vmax.f32 v21, v13;
	v27 =	vmax.f32 v18, v11;
	v13 =	vld [tilespmem:s25+$0xC0];
	v26 =	vmax.f32 v19, v29  }
0x134: {  	v11 =	vld [tilespmem:s25+$0xD0]  }
0x135: {  	v28 =	vld [tilespmem:s25+$0x0]  }
0x136: {  	v29 =	vld [tilespmem:s25+$0x10]  }
0x137: {  	v39 =	vld [tilespmem:s25+$0x20]  }
0x138: {  	v40 =	vld [tilespmem:s25+$0x30]  }
0x139: {  	v21 =	vld [tilespmem:s25+$0x40]  }
0x13a: {  	v19 =	vld [tilespmem:s25+$0x50]  }
0x13b: {  	v32 =	vld [tilespmem:s25+$0xFFFFFF80]  }
0x13c: {  	v41 =	vld [tilespmem:s25+$0xFFFFFF90]  }
0x13d: {  	v42 =	vld [tilespmem:s25+$0xFFFFFFA0]  }
0x13e: {  	v43 =	vld [tilespmem:s25+$0xFFFFFFB0]  }
0x13f: {  	v18 =	vld [tilespmem:s25+$0xFFFFFF00]  }
0x140: {  	v30 =	vld [tilespmem:s25+$0xFFFFFFC0]  }
0x141: {  	v44 =	vld [tilespmem:s25+$0xFFFFFF10]  }
0x142: {  	v45 =	vld [tilespmem:s25+$0xFFFFFF20]  }
0x143: {  	v46 =	vld [tilespmem:s25+$0xFFFFFF30]  }
0x144: {  	s24 =	sadd.s32 $0x4, s24;
	v17 =	vmax.f32 v17, v18;
	v18 =	vld [tilespmem:s25+$0xFFFFFFD0]  }
0x145: {  	p0 =	slt.u32 s24, $0xC4;
	v31 =	vld [tilespmem:s25+$0xFFFFFF40];
	v17 =	vmax.f32 v17, v32  }
.Ltmp4:
0x146: {  	v33 =	vld [tilespmem:s25+$0xFFFFFF50];
	v17 =	vmax.f32 v17, v28;
	(pc) =	sbr.rel @p0 .LBB2_11-.Ltmp4, $4  }
0x147: {  	v34 =	vld [tilespmem:s25+$0xFFFFFF54];
	v17 =	vmax.f32 v17, v38  }
0x148: {  	v28 =	vmax.f32 v35, v44;
	v35 =	vmax.f32 v36, v45;
	v36 =	vmax.f32 v37, v46;
	v32 =	vld [tilespmem:s25+$0xFFFFFFD4]  }
0x149: {  	v37 =	vmax.f32 v28, v41;
	v38 =	vmax.f32 v35, v42;
	v41 =	vmax.f32 v36, v43;
	v28 =	vld [tilespmem:s25+$0x54]  }
0x14a: {  	v35 =	vmax.f32 v37, v29;
	v36 =	vmax.f32 v38, v39;
	v37 =	vmax.f32 v41, v40;
	v29 =	vld [tilespmem:s25+$0xD4];
	s25 =	sadd.s32 $0x200, s25  }
0x14b: {  	v20 =	vmax.f32 v35, v20;
	v23 =	vmax.f32 v36, v23;
	v2 =	vmul.f32 v12, v2  }
0x14c: {  	v24 =	vmax.f32 v37, v24;
	v25 =	vmax.f32 v25, v31;
	v45 =	vmul.f32 v17, v12  }
0x14d: {  	v46 =	vmax.f32 v27, v33;
	v22 =	vmul.f32 v10, v22;
	v2 =	vadd.f32 $0.0e+00, v2  }
0x14e: {  	v15 =	vmul.f32 v9, v15;
	v47 =	vmul.f32 v20, v10;
	v12 =	vadd.f32 $0.0e+00, v45  }
0x14f: {  	v14 =	vmul.f32 v6, v14;
	v54 =	vmul.f32 v5, v16;
	v2 =	vadd.f32 v22, v2  }
0x150: {  	v8 =	vmul.f32 v4, v8;
	v49 =	vmul.f32 v23, v9;
	v10 =	vadd.f32 v47, v12  }
0x151: {  	v26 =	vmax.f32 v26, v34;
	v48 =	vmax.f32 v25, v30;
	v2 =	vadd.f32 v15, v2  }
0x152: {  	v52 =	vmul.f32 v24, v6;
	v51 =	vmax.f32 v48, v21;
	v9 =	vadd.f32 v49, v10  }
0x153: {  	v17 =	vmax.f32 v46, v18;
	v53 =	vmax.f32 v51, v13;
	v2 =	vadd.f32 v14, v2  }
0x154: {  	v55 =	vmax.f32 v17, v19;
	v56 =	vmul.f32 v53, v5;
	v6 =	vadd.f32 v52, v9  }
0x155: {  	v50 =	vmax.f32 v26, v32;
	v57 =	vmax.f32 v55, v11;
	v2 =	vadd.f32 v54, v2  }
0x156: {  	v58 =	vmax.f32 v50, v28;
	v59 =	vmul.f32 v57, v4;
	v5 =	vadd.f32 v56, v6  }
0x157: {  	v7 =	vmul.f32 v3, v7;
	v60 =	vmax.f32 v58, v29;
	v2 =	vadd.f32 v8, v2  }
0x158: {  	v3 =	vmul.f32 v60, v3;
	v4 =	vadd.f32 v59, v5  }
0x159: {  	v2 =	vadd.f32 v7, v2  }
0x15a: {  	v3 =	vadd.f32 v3, v4  }
0x15b: {  	(xrf2) =	vadd.scan.msk.f32 $0xffff, v2  }
0x15c: {  	(xrf2) =	vadd.scan.msk.f32 $0xffff, v3;
	_ =	sdelay $0x4  }
0x15d: {  	s22 =	sand.u32 $0xF, s22  }
0x15e: {  	p0 =	sne.s32 s22, $0xF  }
0x15f: {  	s24 =	sshll.u32 @!p0 s21, $0x1  }
0x160: {  	s24 =	sand.u32 @!p0 $0x70, s24  }
0x161: {  	s23 =	sand.u32 $0xE, s23;
	v3 =	vld @!p0 [tilespmem:s24+$0x12D00];
	v2, _, _ =	vpop (xrf2)  }
0x162: {  	v61 =	vmov s23;
	s21 =	sadd.s32 $0x1, s21;
	v62, _, _ =	vpop (xrf2);
	v2 =	vbroadcast v2, $0xF  }
0x163: {  	v63 =	vmov s22;
	vm0 =	veq.s32 v61, v0;
	p1 =	sne.s32 s21, $0x40;
	v5 =	vbroadcast v62, $0xF  }
.Ltmp5:
0x164: {  	vm15 =	veq.s32 v63, v0;
	v1 =	vsel vm0, v2, v1;
	(pc) =	sbr.rel @p1 .LBB2_8-.Ltmp5, $3  }
0x165: {  	v1 =	vsel vm15, v5, v1  }
0x166: {  	v2 =	vadd.f32 @!p0 v3, v1;
	_ =	sdelay $0x1  }
0x167: {  	[tilespmem:s24+$0x12D00] =	vst @!p0 v2  }
0x168: {  	v1 =	vld [tilespmem:$0x12CE0]  }
0x169: {  	v2 =	vld [tilespmem:$0x12D00];
	_ =	sdelay $0x4  }
0x16a: {  	v2 =	vadd.f32 v2, v1;
	_ =	sdelay $0x1  }
0x16b: {  	v2 =	vsub.f32 $0.0e+00, v2;
	_ =	sdelay $0x1  }
0x16c: {  	v2 =	vmul.f32 $1.442695020e+00, v2;
	_ =	sdelay $0x1  }
0x16d: {  	(erf) = vpow2.f32 v2;
	_ =	sdelay $0x1  }
0x16e: {  	v2 =	vld [tilespmem:$0x12D10];
	_ =	sdelay $0x4  }
0x16f: {  	v2 =	vadd.f32 v2, v1;
	_ =	sdelay $0x1  }
0x170: {  	v2 =	vsub.f32 $0.0e+00, v2;
	v3 =	vpop (erf)  }
0x171: {  	v3 =	vadd.f32 $1.000000000e+00, v3  }
0x172: {  	v2 =	vmul.f32 $1.442695020e+00, v2  }
0x173: {  	(erf) = vrcp.f32 v3  }
0x174: {  	(erf) = vpow2.f32 v2;
	_ =	sdelay $0x1  }
0x175: {  	v2 =	vld [tilespmem:$0x12D20];
	_ =	sdelay $0x4  }
0x176: {  	v2 =	vadd.f32 v2, v1  }
0x177: {  	v3 =	vpop (erf)  }
0x178: {  	v2 =	vsub.f32 $0.0e+00, v2;
	v4 =	vpop (erf)  }
0x179: {  	v4 =	vadd.f32 $1.000000000e+00, v4  }
0x17a: {  	v2 =	vmul.f32 $1.442695020e+00, v2  }
0x17b: {  	(erf) = vrcp.f32 v4  }
0x17c: {  	(erf) = vpow2.f32 v2;
	_ =	sdelay $0x1  }
0x17d: {  	v2 =	vld [tilespmem:$0x12D30];
	_ =	sdelay $0x4  }
0x17e: {  	v2 =	vadd.f32 v2, v1  }
0x17f: {  	v4 =	vpop (erf)  }
0x180: {  	v2 =	vsub.f32 $0.0e+00, v2;
	v5 =	vpop (erf)  }
0x181: {  	v5 =	vadd.f32 $1.000000000e+00, v5  }
0x182: {  	v2 =	vmul.f32 $1.442695020e+00, v2  }
0x183: {  	(erf) = vrcp.f32 v5  }
0x184: {  	(erf) = vpow2.f32 v2;
	_ =	sdelay $0x1  }
0x185: {  	v2 =	vld [tilespmem:$0x12D40];
	_ =	sdelay $0x4  }
0x186: {  	v2 =	vadd.f32 v2, v1  }
0x187: {  	v5 =	vpop (erf)  }
0x188: {  	v2 =	vsub.f32 $0.0e+00, v2;
	v6 =	vpop (erf)  }
0x189: {  	v6 =	vadd.f32 $1.000000000e+00, v6  }
0x18a: {  	v2 =	vmul.f32 $1.442695020e+00, v2  }
0x18b: {  	(erf) = vrcp.f32 v6  }
0x18c: {  	(erf) = vpow2.f32 v2;
	_ =	sdelay $0x1  }
0x18d: {  	v2 =	vld [tilespmem:$0x12D50];
	_ =	sdelay $0x4  }
0x18e: {  	v2 =	vadd.f32 v2, v1  }
0x18f: {  	v6 =	vpop (erf)  }
0x190: {  	v2 =	vsub.f32 $0.0e+00, v2;
	v7 =	vpop (erf)  }
0x191: {  	v7 =	vadd.f32 $1.000000000e+00, v7  }
0x192: {  	v2 =	vmul.f32 $1.442695020e+00, v2  }
0x193: {  	(erf) = vrcp.f32 v7  }
0x194: {  	(erf) = vpow2.f32 v2;
	_ =	sdelay $0x1  }
0x195: {  	v2 =	vld [tilespmem:$0x12D60];
	_ =	sdelay $0x4  }
0x196: {  	v2 =	vadd.f32 v2, v1  }
0x197: {  	v7 =	vpop (erf)  }
0x198: {  	v2 =	vsub.f32 $0.0e+00, v2;
	v8 =	vpop (erf)  }
0x199: {  	v8 =	vadd.f32 $1.000000000e+00, v8  }
0x19a: {  	v2 =	vmul.f32 $1.442695020e+00, v2  }
0x19b: {  	(erf) = vrcp.f32 v8  }
0x19c: {  	(erf) = vpow2.f32 v2;
	_ =	sdelay $0x1  }
0x19d: {  	v2 =	vld [tilespmem:$0x12D70];
	_ =	sdelay $0x4  }
0x19e: {  	v1 =	vadd.f32 v2, v1  }
0x19f: {  	v2 =	vpop (erf)  }
0x1a0: {  	v1 =	vsub.f32 $0.0e+00, v1;
	v62 =	vpop (erf)  }
0x1a1: {  	v8 =	vadd.f32 $1.000000000e+00, v62  }
0x1a2: {  	v1 =	vmul.f32 $1.442695020e+00, v1  }
0x1a3: {  	(erf) = vrcp.f32 v8  }
0x1a4: {  	(erf) = vpow2.f32 v1;
	_ =	sdelay $0x7  }
0x1a5: {  	v1 =	vpop (erf)  }
0x1a6: {  	v63 =	vpop (erf)  }
0x1a7: {  	v8 =	vadd.f32 $1.000000000e+00, v63;
	_ =	sdelay $0x1  }
0x1a8: {  	(erf) = vrcp.f32 v8;
	_ =	sdelay $0x2  }
0x1a9: {  	[tilespmem:$0x12D00] =	vst v3  }
0x1aa: {  	[tilespmem:$0x12D10] =	vst v4  }
0x1ab: {  	[tilespmem:$0x12D20] =	vst v5  }
0x1ac: {  	[tilespmem:$0x12D30] =	vst v6  }
0x1ad: {  	[tilespmem:$0x12D40] =	vst v7  }
0x1ae: {  	s20 =	sadd.s32 $0x1, s20;
	[tilespmem:$0x12D50] =	vst v2  }
0x1af: {  	p0 =	sne.s32 s20, s8;
	[tilespmem:$0x12D60] =	vst v1;
	v1 =	vpop (erf)  }
.Ltmp6:
0x1b0: {  	[tilespmem:$0x12D70] =	vst v1;
	(pc) =	sbr.rel @p0 .LBB2_1-.Ltmp6, $4  }
0x1b1: {  	[hbm4b:s7+s2] =	stream.linear.scatter [tilespmem:s19], [sflag:$0x3], $0x80, $0x38;
	[tilespmem:$0x12D80] =	vst v63  }
0x1b2: {  	_ =	swait.ge [sflag:s10], $0x80  }
0x1b3: {  	[sflag:s10] =	ssyncset.done $0x0  }
0x1b4: {  	[sflag:s10] =	ssyncadd.s32 $0xFFFFFF80  }
0x1b5: {  	_ =	sfence.sel $0x180000  }
0x1b6: {  	[bflag:$0x0] =	sbarrier.arrive $0xFFFF  }
0x1b7: {  	p0 =	sne.s32 s0, $0x0;
	_ =	strace $0x90000047  }
0x1b8: {  	s0 =	sadd.s32 @!p0 $0x100000, s1;
	[bflag:$0x2] =	sbarrier.arrive $0xFFFF  }
0x1b9: {  	[sflag:s0] =	ssyncadd.tile.s32 @!p0 $0x1;
	_ =	shalt  }
.Lfunc_end2:
_tile_overlayer_lowered:
.L_overlay_start_2:
0x1ba: {  	(tag) =	ssettag $0x2  }
0x1bb: {  	s0 =	rddreg [dreg:$0x0];
	s2 =	stileid.u32  }
0x1bc: {  	s1 =	rddreg [dreg:$0x1];
	p0 =	sne.s32 s2, $0x0  }
0x1bd: {  	s3 =	rddreg [dreg:$0x2];
	[bflag:$0x3] =	sbarrier.arrive $0xFFFF;
	s2 =	simm.s32 @!p0 $0x1C03  }
0x1be: {  	[timem:s3], [sflag:s2] =	dma.local @!p0 [hbm:s0], s1  }
0x1bf: {  	s0 =	simm.s32 @!p0 $0x3  }
0x1c0: {  	_ =	swait.ge @!p0 [sflag:s0], s1  }
0x1c1: {  	s1 =	ssub.s32 @!p0 $0x0, s1;
	[sflag:s0] =	ssyncset.done @!p0 $0x0  }
0x1c2: {  	[sflag:s0] =	ssyncadd.s32 @!p0 s1  }
0x1c3: {  	[bflag:$0x3] =	sbarrier.arrive $0xFFFF  }
0x1c4: {  	_ =	shalt  }

</sc_bundles>
